<compile_context>
chip_gen: v7x
topology: tpu7x:2x2x1
jax: 0.10.2.dev20260603
libtpu: 0.0.44.dev20260713+nightly
codegen_flags: <defaults>
</compile_context>

<pallas_src>
import functools

import jax
import jax.numpy as jnp
from jax import lax
from jax.experimental import pallas as pl
from jax.experimental.pallas import tpu as pltpu
from jax.experimental.pallas import tpu_sc as plsc

N = 10000
E = 320000
F_IN = 128
HID = 256
C = 40
CP = 48

NC = 2
NS = 16
NW = NC * NS
K = 80
NCHUNK = 125
EPT = NCHUNK * K
NP = N + 16

_MESH = dict(core_axis_name="c", subcore_axis_name="s",
             num_cores=NC, num_subcores=NS)


def _wid():
    return lax.axis_index("s") * NC + lax.axis_index("c")


_DEGQ = 8


def _deg_body(ei_hbm, ones_hbm, zeros_hbm, out_hbm, idx_v, ones_v, acc, sem):
    c = lax.axis_index("c")
    s = lax.axis_index("s")
    wid = _wid()

    @pl.when(s == 0)
    def _():
        pltpu.sync_copy(zeros_hbm, acc)

    pltpu.sync_copy(ones_hbm, ones_v)
    pltpu.sync_copy(ei_hbm.at[1, wid], idx_v)
    plsc.subcore_barrier()

    def body(j, carry):
        @pl.when(j >= _DEGQ)
        def _():
            pltpu.make_async_copy(ones_v, acc.at[idx_v.at[0]], sem).wait()

        pltpu.async_copy(ones_v, acc.at[idx_v.at[j]], sem, add=True)
        return carry

    lax.fori_loop(0, NCHUNK, body, 0)
    for _ in range(_DEGQ):
        pltpu.make_async_copy(ones_v, acc.at[idx_v.at[0]], sem).wait()
    plsc.subcore_barrier()

    @pl.when(s == 0)
    def _():
        pltpu.sync_copy(acc.at[pl.ds(0, N)], out_hbm.at[c])


def _make_deg_kernel():
    return pl.kernel(
        _deg_body,
        out_type=jax.ShapeDtypeStruct((NC, N, 16), jnp.float32),
        mesh=plsc.VectorSubcoreMesh(**_MESH),
        compiler_params=pltpu.CompilerParams(use_tc_tiling_on_sc=False),
        scratch_types=[
            pltpu.VMEM((NCHUNK, K), jnp.int32),
            pltpu.VMEM((K, 16), jnp.float32),
            pltpu.VMEM_SHARED((NP, 16), jnp.float32),
            pltpu.SemaphoreType.DMA,
        ],
    )


def _agg_body(nbuf, u_hbm, ei_hbm, zeros_hbm, out_hbm,
              idx_s, idx_d, rows_v, acc, gsem, ssem):
    c = lax.axis_index("c")
    s = lax.axis_index("s")
    wid = _wid()

    @pl.when(s == 0)
    def _():
        pltpu.sync_copy(zeros_hbm, acc)

    pltpu.sync_copy(ei_hbm.at[0, wid], idx_s)
    pltpu.sync_copy(ei_hbm.at[1, wid], idx_d)
    plsc.subcore_barrier()

    glag = max(1, nbuf // 2)

    def body(j, carry):
        b = lax.rem(j, nbuf)

        @pl.when(j < NCHUNK)
        def _():
            @pl.when(j >= nbuf)
            def _():
                pltpu.make_async_copy(
                    rows_v.at[b], acc.at[idx_d.at[0]], ssem).wait()

            pltpu.async_copy(u_hbm.at[idx_s.at[j]], rows_v.at[b], gsem)

        @pl.when(j >= glag)
        def _():
            pb = lax.rem(j - glag, nbuf)
            pltpu.make_async_copy(
                u_hbm.at[idx_s.at[0]], rows_v.at[pb], gsem).wait()
            pltpu.async_copy(
                rows_v.at[pb], acc.at[idx_d.at[j - glag]], ssem, add=True)

        return carry

    lax.fori_loop(0, NCHUNK + glag, body, 0)
    for _ in range(nbuf):
        pltpu.make_async_copy(rows_v.at[0], acc.at[idx_d.at[0]], ssem).wait()
    plsc.subcore_barrier()

    @pl.when(s == 0)
    def _():
        pltpu.sync_copy(acc.at[pl.ds(0, N)], out_hbm.at[c])


def _make_agg_kernel(d, nbuf):
    return pl.kernel(
        functools.partial(_agg_body, nbuf),
        out_type=jax.ShapeDtypeStruct((NC, N, d), jnp.float32),
        mesh=plsc.VectorSubcoreMesh(**_MESH),
        compiler_params=pltpu.CompilerParams(use_tc_tiling_on_sc=False),
        scratch_types=[
            pltpu.VMEM((NCHUNK, K), jnp.int32),
            pltpu.VMEM((NCHUNK, K), jnp.int32),
            pltpu.VMEM((nbuf, K, d), jnp.float32),
            pltpu.VMEM_SHARED((NP, d), jnp.float32),
            pltpu.SemaphoreType.DMA,
            pltpu.SemaphoreType.DMA,
        ],
    )


def _scale_body(degp_ref, x_ref, dinv_ref, u1_ref):
    deg = degp_ref[0, :, 0:1] + degp_ref[1, :, 0:1] + 1.0
    dinv = lax.rsqrt(deg)
    dinv_ref[...] = jnp.broadcast_to(dinv, (N, 16))
    u1_ref[...] = x_ref[...] * dinv


def _tc_scale(degp, x):
    return pl.pallas_call(
        _scale_body,
        out_shape=(
            jax.ShapeDtypeStruct((N, 16), jnp.float32),
            jax.ShapeDtypeStruct((N, F_IN), jnp.float32),
        ),
    )(degp, x)


def _mlp_body(s1p_ref, u1_ref, dinv_ref, w1_ref, b1_ref, w2_ref, u2_ref):
    dv = dinv_ref[:, 0:1]
    agg1 = dv * (s1p_ref[0] + s1p_ref[1] + u1_ref[...])
    h = jnp.maximum(
        jnp.dot(agg1, w1_ref[...], preferred_element_type=jnp.float32,
                ) + b1_ref[...],
        0.0)
    z = jnp.dot(h, w2_ref[...], preferred_element_type=jnp.float32)
    u2_ref[...] = dv * z


def _tc_mlp(s1p, u1, dinv, W1, b1_2d, W2p):
    return pl.pallas_call(
        _mlp_body,
        out_shape=jax.ShapeDtypeStruct((N, CP), jnp.float32),
    )(s1p, u1, dinv, W1, b1_2d, W2p)


def _loss_body(s2p_ref, u2_ref, dinv_ref, b2_ref, y_ref, maskf_ref, w_ref,
               out_ref):
    dv = dinv_ref[:, 0:1]
    logits = dv * (s2p_ref[0] + s2p_ref[1] + u2_ref[...]) + b2_ref[...]
    col = lax.broadcasted_iota(jnp.int32, (N, CP), 1)
    valid = col < C
    neg = jnp.where(valid, logits, -1e30)
    m = jnp.max(neg, axis=1, keepdims=True)
    ex = jnp.where(valid, jnp.exp(logits - m), 0.0)
    lse = jnp.log(jnp.sum(ex, axis=1, keepdims=True)) + m
    onehot = col == y_ref[...]
    picked = jnp.sum(jnp.where(onehot, logits, 0.0), axis=1, keepdims=True)
    wy = jnp.sum(jnp.where(onehot, w_ref[...], 0.0), axis=1, keepdims=True)
    nll = lse - picked
    wv = wy * maskf_ref[...]
    num = jnp.sum(nll * wv, axis=0, keepdims=True)
    den = jnp.sum(wv, axis=0, keepdims=True)
    out_ref[...] = num / den


def _tc_loss(s2p, u2, dinv, b2p, y2, maskf, wpad):
    return pl.pallas_call(
        _loss_body,
        out_shape=jax.ShapeDtypeStruct((1, 1), jnp.float32),
    )(s2p, u2, dinv, b2p, y2, maskf, wpad)


def kernel(x, edge_index, y, mask, weight, W1, b1, W2, b2):
    ei = edge_index.astype(jnp.int32).reshape(2, NW, NCHUNK, K)

    zeros16 = jnp.zeros((NP, 16), jnp.float32)
    zerosF = jnp.zeros((NP, F_IN), jnp.float32)
    zerosC = jnp.zeros((NP, CP), jnp.float32)
    onesK = jnp.ones((K, 16), jnp.float32)

    degp = _make_deg_kernel()(ei, onesK, zeros16)
    dinv, u1 = _tc_scale(degp, x)

    s1p = _make_agg_kernel(F_IN, 3)(u1, ei, zerosF)

    W2p = jnp.pad(W2, ((0, 0), (0, CP - C)))
    u2 = _tc_mlp(s1p, u1, dinv, W1, b1.reshape(1, HID), W2p)

    s2p = _make_agg_kernel(CP, 12)(u2, ei, zerosC)

    b2p = jnp.pad(b2, (0, CP - C)).reshape(1, CP)
    wpad = jnp.pad(weight, (0, CP - C)).reshape(1, CP)
    y2 = y.astype(jnp.int32).reshape(N, 1)
    maskf = mask.astype(jnp.float32).reshape(N, 1)

    loss = _tc_loss(s2p, u2, dinv, b2p, y2, maskf, wpad)
    return jnp.reshape(loss, ())

# --- scband reference (transcript-rebuilt; emitter-appended) ---
"""Pipeline reference for scband-gnn-model-29867202576456 (READ-ONLY COPY).

The authoritative reference and input builder live on the scoring server;
editing this copy changes nothing except your own understanding.
"""

import jax, jax.numpy as jnp
import numpy as np

N = 10000
E = 320000
F_IN = 128
HID = 256
C = 40


def gcn_norm(edge_index, num_nodes):
    # GCN symmetric normalization with self-loops: D^{-1/2} (A+I) D^{-1/2}
    src = edge_index[0]
    dst = edge_index[1]
    loop = jnp.arange(num_nodes, dtype=src.dtype)
    src = jnp.concatenate([src, loop])
    dst = jnp.concatenate([dst, loop])
    ones = jnp.ones(src.shape[0], dtype=jnp.float32)
    deg = jax.ops.segment_sum(ones, dst, num_segments=num_nodes)
    dinv = jnp.where(deg > 0, 1.0 / jnp.sqrt(deg), 0.0)
    norm = dinv[src] * dinv[dst]
    return src, dst, norm


def gcn_conv(x, src, dst, norm, W, b):
    xw = x @ W
    msg = xw[src] * norm[:, None]
    agg = jax.ops.segment_sum(msg, dst, num_segments=x.shape[0])
    return agg + b


def setup_inputs(seed: int = 0) -> dict:
    key = jax.random.key(seed)
    ks = jax.random.split(key, 8)
    x = jax.random.normal(ks[0], (N, F_IN), dtype=jnp.float32)
    edge_index = jax.random.randint(ks[1], (2, E), 0, N)
    y = jax.random.randint(ks[2], (N,), 0, C)
    mask = jnp.ones((N,), dtype=bool)
    weight = jax.random.uniform(ks[3], (C,), dtype=jnp.float32)
    W1 = jax.random.normal(ks[4], (F_IN, HID), dtype=jnp.float32) * (1.0 / np.sqrt(F_IN))
    b1 = jnp.zeros((HID,), dtype=jnp.float32)
    W2 = jax.random.normal(ks[5], (HID, C), dtype=jnp.float32) * (1.0 / np.sqrt(HID))
    b2 = jnp.zeros((C,), dtype=jnp.float32)
    return {"x": x, "edge_index": edge_index, "y": y, "mask": mask, "weight": weight, "W1": W1, "b1": b1, "W2": W2, "b2": b2}


def reference(x, edge_index, y, mask, weight, W1, b1, W2, b2):
    # 2-layer GCN classifier (dropout omitted: eval-mode determinism)
    src, dst, norm = gcn_norm(edge_index, x.shape[0])
    h = gcn_conv(x, src, dst, norm, W1, b1)
    h = jax.nn.relu(h)
    out = gcn_conv(h, src, dst, norm, W2, b2)
    # masked weighted cross-entropy, matching F.cross_entropy(output[mask], y[mask], weight=weight)
    logp = jax.nn.log_softmax(out, axis=-1)
    nll = -jnp.take_along_axis(logp, y[:, None], axis=1)[:, 0]
    w = weight[y] * mask.astype(jnp.float32)
    loss = jnp.sum(nll * w) / jnp.sum(w)
    return loss

if __name__ == "__main__":
    import jax
    _d = setup_inputs()
    print(jax.jit(kernel)(*tuple(_d.values())))

</pallas_src>

<mosaic_0001>
#map = affine_map<(d0, d1) -> (0, 0, 0, 0)>
#map1 = affine_map<(d0, d1) -> (0, 0)>
#map2 = affine_map<(d0, d1) -> (0, 0, 0)>
module attributes {stable_mosaic.version = 14 : i64} {
  func.func @_deg_body(%arg0: i32, %arg1: i32, %arg2: memref<2x32x125x80xi32, #tpu.memory_space<hbm>>, %arg3: memref<80x16xf32, #tpu.memory_space<hbm>>, %arg4: memref<10016x16xf32, #tpu.memory_space<hbm>>, %arg5: memref<2x10000x16xf32, #tpu.memory_space<hbm>>, %arg6: memref<125x80xi32, #tpu.memory_space<vmem>>, %arg7: memref<80x16xf32, #tpu.memory_space<vmem>>, %arg8: memref<10016x16xf32, #tpu.memory_space<vmem_shared>>, %arg9: memref<!tpu.dma_semaphore, #tpu.memory_space<semaphore_mem>>) attributes {dimension_semantics = [#tpu.dimension_semantics<core_parallel>, #tpu.dimension_semantics<subcore_parallel>], iteration_bounds = array<i64: 2, 16>, scalar_prefetch = 0 : i64, scratch_operands = 4 : i64, tpu.core_type = #tpu.core_type<sc_vector_subcore>, window_params = [{transform_indices = #map}, {transform_indices = #map1}, {transform_indices = #map1}, {transform_indices = #map2}]} {
    %mul3A = arith.constant 2 : i32
    %mul3A_0 = arith.muli %arg1, %mul3A : i32
    %add3A = arith.addi %mul3A_0, %arg0 : i32
    %eq3A = arith.constant 0 : i32
    %eq3A_1 = arith.cmpi eq, %arg1, %eq3A : i32
    %convert_element_type3A = arith.extui %eq3A_1 : i1 to i32
    %cond3A = arith.constant 0 : i32
    %cond3A_2 = arith.cmpi ne, %convert_element_type3A, %cond3A : i32
    scf.if %cond3A_2 {
      "tpu.region"() ({
        %run_scoped3A_69 = tpu.sem_alloc : memref<!tpu.dma_semaphore, #tpu.memory_space<semaphore_mem>>
        tpu.enqueue_dma source(%arg4 : memref<10016x16xf32, #tpu.memory_space<hbm>>) target(%arg8 : memref<10016x16xf32, #tpu.memory_space<vmem_shared>>) target_semaphore(%run_scoped3A_69 : memref<!tpu.dma_semaphore, #tpu.memory_space<semaphore_mem>>)
        tpu.wait_dma2 semaphore(%run_scoped3A_69 : memref<!tpu.dma_semaphore, #tpu.memory_space<semaphore_mem>>) src(%arg4 : memref<10016x16xf32, #tpu.memory_space<hbm>>) dst(%arg8 : memref<10016x16xf32, #tpu.memory_space<vmem_shared>>)
        tpu.yield
      }) : () -> ()
    } else {
    }
    "tpu.region"() ({
      %run_scoped3A_69 = tpu.sem_alloc : memref<!tpu.dma_semaphore, #tpu.memory_space<semaphore_mem>>
      tpu.enqueue_dma source(%arg3 : memref<80x16xf32, #tpu.memory_space<hbm>>) target(%arg7 : memref<80x16xf32, #tpu.memory_space<vmem>>) target_semaphore(%run_scoped3A_69 : memref<!tpu.dma_semaphore, #tpu.memory_space<semaphore_mem>>)
      tpu.wait_dma2 semaphore(%run_scoped3A_69 : memref<!tpu.dma_semaphore, #tpu.memory_space<semaphore_mem>>) src(%arg3 : memref<80x16xf32, #tpu.memory_space<hbm>>) dst(%arg7 : memref<80x16xf32, #tpu.memory_space<vmem>>)
      tpu.yield
    }) : () -> ()
    %run_scoped3A = arith.constant 1 : i32
    "tpu.region"() ({
      %run_scoped3A_69 = tpu.sem_alloc : memref<!tpu.dma_semaphore, #tpu.memory_space<semaphore_mem>>
      %dma_start3A = arith.constant 0 : i32
      %dma_start3A_70 = arith.constant 0 : i32
      %dma_start3A_71 = tpu.memref_slice %arg2[%run_scoped3A, %add3A, %dma_start3A, %dma_start3A_70] : memref<2x32x125x80xi32, #tpu.memory_space<hbm>> -> memref<1x1x125x80xi32, #tpu.memory_space<hbm>>
      %dma_start3A_72 = tpu.memref_squeeze %dma_start3A_71 : memref<1x1x125x80xi32, #tpu.memory_space<hbm>> -> memref<125x80xi32, #tpu.memory_space<hbm>>
      %dma_start3A_73 = arith.constant 0 : i32
      %dma_start3A_74 = arith.constant 0 : i32
      %dma_start3A_75 = tpu.memref_slice %arg2[%run_scoped3A, %add3A, %dma_start3A_73, %dma_start3A_74] : memref<2x32x125x80xi32, #tpu.memory_space<hbm>> -> memref<1x1x125x80xi32, #tpu.memory_space<hbm>>
      %dma_start3A_76 = tpu.memref_squeeze %dma_start3A_75 : memref<1x1x125x80xi32, #tpu.memory_space<hbm>> -> memref<125x80xi32, #tpu.memory_space<hbm>>
      tpu.enqueue_dma source(%dma_start3A_76 : memref<125x80xi32, #tpu.memory_space<hbm>>) target(%arg6 : memref<125x80xi32, #tpu.memory_space<vmem>>) target_semaphore(%run_scoped3A_69 : memref<!tpu.dma_semaphore, #tpu.memory_space<semaphore_mem>>)
      %dma_wait3A_77 = arith.constant 0 : i32
      %dma_wait3A_78 = arith.constant 0 : i32
      %dma_wait3A_79 = tpu.memref_slice %arg2[%run_scoped3A, %add3A, %dma_wait3A_77, %dma_wait3A_78] : memref<2x32x125x80xi32, #tpu.memory_space<hbm>> -> memref<1x1x125x80xi32, #tpu.memory_space<hbm>>
      %dma_wait3A_80 = tpu.memref_squeeze %dma_wait3A_79 : memref<1x1x125x80xi32, #tpu.memory_space<hbm>> -> memref<125x80xi32, #tpu.memory_space<hbm>>
      %dma_wait3A_81 = arith.constant 0 : i32
      %dma_wait3A_82 = arith.constant 0 : i32
      %dma_wait3A_83 = tpu.memref_slice %arg2[%run_scoped3A, %add3A, %dma_wait3A_81, %dma_wait3A_82] : memref<2x32x125x80xi32, #tpu.memory_space<hbm>> -> memref<1x1x125x80xi32, #tpu.memory_space<hbm>>
      %dma_wait3A_84 = tpu.memref_squeeze %dma_wait3A_83 : memref<1x1x125x80xi32, #tpu.memory_space<hbm>> -> memref<125x80xi32, #tpu.memory_space<hbm>>
      tpu.wait_dma2 semaphore(%run_scoped3A_69 : memref<!tpu.dma_semaphore, #tpu.memory_space<semaphore_mem>>) src(%dma_wait3A_84 : memref<125x80xi32, #tpu.memory_space<hbm>>) dst(%arg6 : memref<125x80xi32, #tpu.memory_space<vmem>>)
      tpu.yield
    }) : () -> ()
    %barrier3A = arith.constant 0 : index
    tpu.barrier barrier_id(%barrier3A)
    %scan3A = arith.constant 0 : i32
    %scan3A_3 = arith.constant 0 : i32
    %scan3A_4 = arith.constant 125 : i32
    %scan3A_5 = arith.addi %scan3A_3, %scan3A_4 : i32
    %scan3A_6 = arith.constant 1 : i32
    scf.for %scan3A_69 = %scan3A_3 to %scan3A_5 step %scan3A_6  : i32 {
      %ge3A = arith.constant 8 : i32
      %ge3A_70 = arith.cmpi sge, %scan3A_69, %ge3A : i32
      %convert_element_type3A_71 = arith.extui %ge3A_70 : i1 to i32
      %cond3A_72 = arith.constant 0 : i32
      %cond3A_73 = arith.cmpi ne, %convert_element_type3A_71, %cond3A_72 : i32
      scf.if %cond3A_73 {
        %dma_wait3A_79 = arith.constant 0 : i32
        %dma_wait3A_80 = arith.constant 0 : i32
        %dma_wait3A_81 = tpu.memref_slice %arg6[%dma_wait3A_79, %dma_wait3A_80] : memref<125x80xi32, #tpu.memory_space<vmem>> -> memref<1x80xi32, #tpu.memory_space<vmem>>
        %dma_wait3A_82 = tpu.memref_squeeze %dma_wait3A_81 : memref<1x80xi32, #tpu.memory_space<vmem>> -> memref<80xi32, #tpu.memory_space<vmem>>
        %dma_wait3A_83 = arith.constant 0 : i32
        %dma_wait3A_84 = arith.constant 0 : i32
        %dma_wait3A_85 = tpu.memref_slice %arg8[%dma_wait3A_83, %dma_wait3A_84] : memref<10016x16xf32, #tpu.memory_space<vmem_shared>> -> memref<10016x16xf32, #tpu.memory_space<vmem_shared>>
        tpu.wait_indirect_dma semaphore(%arg9 : memref<!tpu.dma_semaphore, #tpu.memory_space<semaphore_mem>>) src(%arg7 : memref<80x16xf32, #tpu.memory_space<vmem>>) dst(%dma_wait3A_85 : memref<10016x16xf32, #tpu.memory_space<vmem_shared>>)
      } else {
      }
      %dma_start3A = arith.constant 0 : i32
      %dma_start3A_74 = tpu.memref_slice %arg6[%scan3A_69, %dma_start3A] : memref<125x80xi32, #tpu.memory_space<vmem>> -> memref<1x80xi32, #tpu.memory_space<vmem>>
      %dma_start3A_75 = tpu.memref_squeeze %dma_start3A_74 : memref<1x80xi32, #tpu.memory_space<vmem>> -> memref<80xi32, #tpu.memory_space<vmem>>
      %dma_start3A_76 = arith.constant 0 : i32
      %dma_start3A_77 = arith.constant 0 : i32
      %dma_start3A_78 = tpu.memref_slice %arg8[%dma_start3A_76, %dma_start3A_77] : memref<10016x16xf32, #tpu.memory_space<vmem_shared>> -> memref<10016x16xf32, #tpu.memory_space<vmem_shared>>
      tpu.enqueue_indirect_dma source(%arg7 : memref<80x16xf32, #tpu.memory_space<vmem>>) target(%dma_start3A_78 : memref<10016x16xf32, #tpu.memory_space<vmem_shared>>) offsets(%dma_start3A_75 : memref<80xi32, #tpu.memory_space<vmem>>) semaphore(%arg9 : memref<!tpu.dma_semaphore, #tpu.memory_space<semaphore_mem>>) {add = true}
    }
    %scan3A_7 = arith.constant 125 : i32
    %dma_wait3A = arith.constant 0 : i32
    %dma_wait3A_8 = arith.constant 0 : i32
    %dma_wait3A_9 = tpu.memref_slice %arg6[%dma_wait3A, %dma_wait3A_8] : memref<125x80xi32, #tpu.memory_space<vmem>> -> memref<1x80xi32, #tpu.memory_space<vmem>>
    %dma_wait3A_10 = tpu.memref_squeeze %dma_wait3A_9 : memref<1x80xi32, #tpu.memory_space<vmem>> -> memref<80xi32, #tpu.memory_space<vmem>>
    %dma_wait3A_11 = arith.constant 0 : i32
    %dma_wait3A_12 = arith.constant 0 : i32
    %dma_wait3A_13 = tpu.memref_slice %arg8[%dma_wait3A_11, %dma_wait3A_12] : memref<10016x16xf32, #tpu.memory_space<vmem_shared>> -> memref<10016x16xf32, #tpu.memory_space<vmem_shared>>
    tpu.wait_indirect_dma semaphore(%arg9 : memref<!tpu.dma_semaphore, #tpu.memory_space<semaphore_mem>>) src(%arg7 : memref<80x16xf32, #tpu.memory_space<vmem>>) dst(%dma_wait3A_13 : memref<10016x16xf32, #tpu.memory_space<vmem_shared>>)
    %dma_wait3A_14 = arith.constant 0 : i32
    %dma_wait3A_15 = arith.constant 0 : i32
    %dma_wait3A_16 = tpu.memref_slice %arg6[%dma_wait3A_14, %dma_wait3A_15] : memref<125x80xi32, #tpu.memory_space<vmem>> -> memref<1x80xi32, #tpu.memory_space<vmem>>
    %dma_wait3A_17 = tpu.memref_squeeze %dma_wait3A_16 : memref<1x80xi32, #tpu.memory_space<vmem>> -> memref<80xi32, #tpu.memory_space<vmem>>
    %dma_wait3A_18 = arith.constant 0 : i32
    %dma_wait3A_19 = arith.constant 0 : i32
    %dma_wait3A_20 = tpu.memref_slice %arg8[%dma_wait3A_18, %dma_wait3A_19] : memref<10016x16xf32, #tpu.memory_space<vmem_shared>> -> memref<10016x16xf32, #tpu.memory_space<vmem_shared>>
    tpu.wait_indirect_dma semaphore(%arg9 : memref<!tpu.dma_semaphore, #tpu.memory_space<semaphore_mem>>) src(%arg7 : memref<80x16xf32, #tpu.memory_space<vmem>>) dst(%dma_wait3A_20 : memref<10016x16xf32, #tpu.memory_space<vmem_shared>>)
    %dma_wait3A_21 = arith.constant 0 : i32
    %dma_wait3A_22 = arith.constant 0 : i32
    %dma_wait3A_23 = tpu.memref_slice %arg6[%dma_wait3A_21, %dma_wait3A_22] : memref<125x80xi32, #tpu.memory_space<vmem>> -> memref<1x80xi32, #tpu.memory_space<vmem>>
    %dma_wait3A_24 = tpu.memref_squeeze %dma_wait3A_23 : memref<1x80xi32, #tpu.memory_space<vmem>> -> memref<80xi32, #tpu.memory_space<vmem>>
    %dma_wait3A_25 = arith.constant 0 : i32
    %dma_wait3A_26 = arith.constant 0 : i32
    %dma_wait3A_27 = tpu.memref_slice %arg8[%dma_wait3A_25, %dma_wait3A_26] : memref<10016x16xf32, #tpu.memory_space<vmem_shared>> -> memref<10016x16xf32, #tpu.memory_space<vmem_shared>>
    tpu.wait_indirect_dma semaphore(%arg9 : memref<!tpu.dma_semaphore, #tpu.memory_space<semaphore_mem>>) src(%arg7 : memref<80x16xf32, #tpu.memory_space<vmem>>) dst(%dma_wait3A_27 : memref<10016x16xf32, #tpu.memory_space<vmem_shared>>)
    %dma_wait3A_28 = arith.constant 0 : i32
    %dma_wait3A_29 = arith.constant 0 : i32
    %dma_wait3A_30 = tpu.memref_slice %arg6[%dma_wait3A_28, %dma_wait3A_29] : memref<125x80xi32, #tpu.memory_space<vmem>> -> memref<1x80xi32, #tpu.memory_space<vmem>>
    %dma_wait3A_31 = tpu.memref_squeeze %dma_wait3A_30 : memref<1x80xi32, #tpu.memory_space<vmem>> -> memref<80xi32, #tpu.memory_space<vmem>>
    %dma_wait3A_32 = arith.constant 0 : i32
    %dma_wait3A_33 = arith.constant 0 : i32
    %dma_wait3A_34 = tpu.memref_slice %arg8[%dma_wait3A_32, %dma_wait3A_33] : memref<10016x16xf32, #tpu.memory_space<vmem_shared>> -> memref<10016x16xf32, #tpu.memory_space<vmem_shared>>
    tpu.wait_indirect_dma semaphore(%arg9 : memref<!tpu.dma_semaphore, #tpu.memory_space<semaphore_mem>>) src(%arg7 : memref<80x16xf32, #tpu.memory_space<vmem>>) dst(%dma_wait3A_34 : memref<10016x16xf32, #tpu.memory_space<vmem_shared>>)
    %dma_wait3A_35 = arith.constant 0 : i32
    %dma_wait3A_36 = arith.constant 0 : i32
    %dma_wait3A_37 = tpu.memref_slice %arg6[%dma_wait3A_35, %dma_wait3A_36] : memref<125x80xi32, #tpu.memory_space<vmem>> -> memref<1x80xi32, #tpu.memory_space<vmem>>
    %dma_wait3A_38 = tpu.memref_squeeze %dma_wait3A_37 : memref<1x80xi32, #tpu.memory_space<vmem>> -> memref<80xi32, #tpu.memory_space<vmem>>
    %dma_wait3A_39 = arith.constant 0 : i32
    %dma_wait3A_40 = arith.constant 0 : i32
    %dma_wait3A_41 = tpu.memref_slice %arg8[%dma_wait3A_39, %dma_wait3A_40] : memref<10016x16xf32, #tpu.memory_space<vmem_shared>> -> memref<10016x16xf32, #tpu.memory_space<vmem_shared>>
    tpu.wait_indirect_dma semaphore(%arg9 : memref<!tpu.dma_semaphore, #tpu.memory_space<semaphore_mem>>) src(%arg7 : memref<80x16xf32, #tpu.memory_space<vmem>>) dst(%dma_wait3A_41 : memref<10016x16xf32, #tpu.memory_space<vmem_shared>>)
    %dma_wait3A_42 = arith.constant 0 : i32
    %dma_wait3A_43 = arith.constant 0 : i32
    %dma_wait3A_44 = tpu.memref_slice %arg6[%dma_wait3A_42, %dma_wait3A_43] : memref<125x80xi32, #tpu.memory_space<vmem>> -> memref<1x80xi32, #tpu.memory_space<vmem>>
    %dma_wait3A_45 = tpu.memref_squeeze %dma_wait3A_44 : memref<1x80xi32, #tpu.memory_space<vmem>> -> memref<80xi32, #tpu.memory_space<vmem>>
    %dma_wait3A_46 = arith.constant 0 : i32
    %dma_wait3A_47 = arith.constant 0 : i32
    %dma_wait3A_48 = tpu.memref_slice %arg8[%dma_wait3A_46, %dma_wait3A_47] : memref<10016x16xf32, #tpu.memory_space<vmem_shared>> -> memref<10016x16xf32, #tpu.memory_space<vmem_shared>>
    tpu.wait_indirect_dma semaphore(%arg9 : memref<!tpu.dma_semaphore, #tpu.memory_space<semaphore_mem>>) src(%arg7 : memref<80x16xf32, #tpu.memory_space<vmem>>) dst(%dma_wait3A_48 : memref<10016x16xf32, #tpu.memory_space<vmem_shared>>)
    %dma_wait3A_49 = arith.constant 0 : i32
    %dma_wait3A_50 = arith.constant 0 : i32
    %dma_wait3A_51 = tpu.memref_slice %arg6[%dma_wait3A_49, %dma_wait3A_50] : memref<125x80xi32, #tpu.memory_space<vmem>> -> memref<1x80xi32, #tpu.memory_space<vmem>>
    %dma_wait3A_52 = tpu.memref_squeeze %dma_wait3A_51 : memref<1x80xi32, #tpu.memory_space<vmem>> -> memref<80xi32, #tpu.memory_space<vmem>>
    %dma_wait3A_53 = arith.constant 0 : i32
    %dma_wait3A_54 = arith.constant 0 : i32
    %dma_wait3A_55 = tpu.memref_slice %arg8[%dma_wait3A_53, %dma_wait3A_54] : memref<10016x16xf32, #tpu.memory_space<vmem_shared>> -> memref<10016x16xf32, #tpu.memory_space<vmem_shared>>
    tpu.wait_indirect_dma semaphore(%arg9 : memref<!tpu.dma_semaphore, #tpu.memory_space<semaphore_mem>>) src(%arg7 : memref<80x16xf32, #tpu.memory_space<vmem>>) dst(%dma_wait3A_55 : memref<10016x16xf32, #tpu.memory_space<vmem_shared>>)
    %dma_wait3A_56 = arith.constant 0 : i32
    %dma_wait3A_57 = arith.constant 0 : i32
    %dma_wait3A_58 = tpu.memref_slice %arg6[%dma_wait3A_56, %dma_wait3A_57] : memref<125x80xi32, #tpu.memory_space<vmem>> -> memref<1x80xi32, #tpu.memory_space<vmem>>
    %dma_wait3A_59 = tpu.memref_squeeze %dma_wait3A_58 : memref<1x80xi32, #tpu.memory_space<vmem>> -> memref<80xi32, #tpu.memory_space<vmem>>
    %dma_wait3A_60 = arith.constant 0 : i32
    %dma_wait3A_61 = arith.constant 0 : i32
    %dma_wait3A_62 = tpu.memref_slice %arg8[%dma_wait3A_60, %dma_wait3A_61] : memref<10016x16xf32, #tpu.memory_space<vmem_shared>> -> memref<10016x16xf32, #tpu.memory_space<vmem_shared>>
    tpu.wait_indirect_dma semaphore(%arg9 : memref<!tpu.dma_semaphore, #tpu.memory_space<semaphore_mem>>) src(%arg7 : memref<80x16xf32, #tpu.memory_space<vmem>>) dst(%dma_wait3A_62 : memref<10016x16xf32, #tpu.memory_space<vmem_shared>>)
    %barrier3A_63 = arith.constant 0 : index
    tpu.barrier barrier_id(%barrier3A_63)
    %eq3A_64 = arith.constant 0 : i32
    %eq3A_65 = arith.cmpi eq, %arg1, %eq3A_64 : i32
    %convert_element_type3A_66 = arith.extui %eq3A_65 : i1 to i32
    %cond3A_67 = arith.constant 0 : i32
    %cond3A_68 = arith.cmpi ne, %convert_element_type3A_66, %cond3A_67 : i32
    scf.if %cond3A_68 {
      "tpu.region"() ({
        %run_scoped3A_69 = tpu.sem_alloc : memref<!tpu.dma_semaphore, #tpu.memory_space<semaphore_mem>>
        %dma_start3A = arith.constant 0 : i32
        %dma_start3A_70 = arith.constant 0 : i32
        %dma_start3A_71 = tpu.memref_slice %arg5[%arg0, %dma_start3A, %dma_start3A_70] : memref<2x10000x16xf32, #tpu.memory_space<hbm>> -> memref<1x10000x16xf32, #tpu.memory_space<hbm>>
        %dma_start3A_72 = tpu.memref_squeeze %dma_start3A_71 : memref<1x10000x16xf32, #tpu.memory_space<hbm>> -> memref<10000x16xf32, #tpu.memory_space<hbm>>
        %dma_start3A_73 = arith.constant 0 : i32
        %dma_start3A_74 = arith.constant 0 : i32
        %dma_start3A_75 = tpu.memref_slice %arg8[%dma_start3A_73, %dma_start3A_74] : memref<10016x16xf32, #tpu.memory_space<vmem_shared>> -> memref<10000x16xf32, #tpu.memory_space<vmem_shared>>
        tpu.enqueue_dma source(%dma_start3A_75 : memref<10000x16xf32, #tpu.memory_space<vmem_shared>>) target(%dma_start3A_72 : memref<10000x16xf32, #tpu.memory_space<hbm>>) target_semaphore(%run_scoped3A_69 : memref<!tpu.dma_semaphore, #tpu.memory_space<semaphore_mem>>)
        %dma_wait3A_76 = arith.constant 0 : i32
        %dma_wait3A_77 = arith.constant 0 : i32
        %dma_wait3A_78 = tpu.memref_slice %arg5[%arg0, %dma_wait3A_76, %dma_wait3A_77] : memref<2x10000x16xf32, #tpu.memory_space<hbm>> -> memref<1x10000x16xf32, #tpu.memory_space<hbm>>
        %dma_wait3A_79 = tpu.memref_squeeze %dma_wait3A_78 : memref<1x10000x16xf32, #tpu.memory_space<hbm>> -> memref<10000x16xf32, #tpu.memory_space<hbm>>
        %dma_wait3A_80 = arith.constant 0 : i32
        %dma_wait3A_81 = arith.constant 0 : i32
        %dma_wait3A_82 = tpu.memref_slice %arg8[%dma_wait3A_80, %dma_wait3A_81] : memref<10016x16xf32, #tpu.memory_space<vmem_shared>> -> memref<10000x16xf32, #tpu.memory_space<vmem_shared>>
        tpu.wait_dma2 semaphore(%run_scoped3A_69 : memref<!tpu.dma_semaphore, #tpu.memory_space<semaphore_mem>>) src(%dma_wait3A_82 : memref<10000x16xf32, #tpu.memory_space<vmem_shared>>) dst(%dma_wait3A_79 : memref<10000x16xf32, #tpu.memory_space<hbm>>)
        tpu.yield
      }) : () -> ()
    } else {
    }
    return
  }
}

#map = affine_map<(d0, d1) -> (0, 0)>
#map1 = affine_map<(d0, d1) -> (0, 0, 0, 0)>
#map2 = affine_map<(d0, d1) -> (0, 0, 0)>
module attributes {stable_mosaic.version = 14 : i64} {
  func.func @_agg_body(%arg0: i32, %arg1: i32, %arg2: memref<10000x48xf32, #tpu.memory_space<hbm>>, %arg3: memref<2x32x125x80xi32, #tpu.memory_space<hbm>>, %arg4: memref<10016x48xf32, #tpu.memory_space<hbm>>, %arg5: memref<2x10000x48xf32, #tpu.memory_space<hbm>>, %arg6: memref<125x80xi32, #tpu.memory_space<vmem>>, %arg7: memref<125x80xi32, #tpu.memory_space<vmem>>, %arg8: memref<12x80x48xf32, #tpu.memory_space<vmem>>, %arg9: memref<10016x48xf32, #tpu.memory_space<vmem_shared>>, %arg10: memref<!tpu.dma_semaphore, #tpu.memory_space<semaphore_mem>>, %arg11: memref<!tpu.dma_semaphore, #tpu.memory_space<semaphore_mem>>) attributes {dimension_semantics = [#tpu.dimension_semantics<core_parallel>, #tpu.dimension_semantics<subcore_parallel>], iteration_bounds = array<i64: 2, 16>, scalar_prefetch = 0 : i64, scratch_operands = 6 : i64, tpu.core_type = #tpu.core_type<sc_vector_subcore>, window_params = [{transform_indices = #map}, {transform_indices = #map1}, {transform_indices = #map}, {transform_indices = #map2}]} {
    %mul3A = arith.constant 2 : i32
    %mul3A_0 = arith.muli %arg1, %mul3A : i32
    %add3A = arith.addi %mul3A_0, %arg0 : i32
    %eq3A = arith.constant 0 : i32
    %eq3A_1 = arith.cmpi eq, %arg1, %eq3A : i32
    %convert_element_type3A = arith.extui %eq3A_1 : i1 to i32
    %cond3A = arith.constant 0 : i32
    %cond3A_2 = arith.cmpi ne, %convert_element_type3A, %cond3A : i32
    scf.if %cond3A_2 {
      "tpu.region"() ({
        %run_scoped3A_158 = tpu.sem_alloc : memref<!tpu.dma_semaphore, #tpu.memory_space<semaphore_mem>>
        tpu.enqueue_dma source(%arg4 : memref<10016x48xf32, #tpu.memory_space<hbm>>) target(%arg9 : memref<10016x48xf32, #tpu.memory_space<vmem_shared>>) target_semaphore(%run_scoped3A_158 : memref<!tpu.dma_semaphore, #tpu.memory_space<semaphore_mem>>)
        tpu.wait_dma2 semaphore(%run_scoped3A_158 : memref<!tpu.dma_semaphore, #tpu.memory_space<semaphore_mem>>) src(%arg4 : memref<10016x48xf32, #tpu.memory_space<hbm>>) dst(%arg9 : memref<10016x48xf32, #tpu.memory_space<vmem_shared>>)
        tpu.yield
      }) : () -> ()
    } else {
    }
    %run_scoped3A = arith.constant 0 : i32
    "tpu.region"() ({
      %run_scoped3A_158 = tpu.sem_alloc : memref<!tpu.dma_semaphore, #tpu.memory_space<semaphore_mem>>
      %dma_start3A = arith.constant 0 : i32
      %dma_start3A_159 = arith.constant 0 : i32
      %dma_start3A_160 = tpu.memref_slice %arg3[%run_scoped3A, %add3A, %dma_start3A, %dma_start3A_159] : memref<2x32x125x80xi32, #tpu.memory_space<hbm>> -> memref<1x1x125x80xi32, #tpu.memory_space<hbm>>
      %dma_start3A_161 = tpu.memref_squeeze %dma_start3A_160 : memref<1x1x125x80xi32, #tpu.memory_space<hbm>> -> memref<125x80xi32, #tpu.memory_space<hbm>>
      %dma_start3A_162 = arith.constant 0 : i32
      %dma_start3A_163 = arith.constant 0 : i32
      %dma_start3A_164 = tpu.memref_slice %arg3[%run_scoped3A, %add3A, %dma_start3A_162, %dma_start3A_163] : memref<2x32x125x80xi32, #tpu.memory_space<hbm>> -> memref<1x1x125x80xi32, #tpu.memory_space<hbm>>
      %dma_start3A_165 = tpu.memref_squeeze %dma_start3A_164 : memref<1x1x125x80xi32, #tpu.memory_space<hbm>> -> memref<125x80xi32, #tpu.memory_space<hbm>>
      tpu.enqueue_dma source(%dma_start3A_165 : memref<125x80xi32, #tpu.memory_space<hbm>>) target(%arg6 : memref<125x80xi32, #tpu.memory_space<vmem>>) target_semaphore(%run_scoped3A_158 : memref<!tpu.dma_semaphore, #tpu.memory_space<semaphore_mem>>)
      %dma_wait3A_166 = arith.constant 0 : i32
      %dma_wait3A_167 = arith.constant 0 : i32
      %dma_wait3A_168 = tpu.memref_slice %arg3[%run_scoped3A, %add3A, %dma_wait3A_166, %dma_wait3A_167] : memref<2x32x125x80xi32, #tpu.memory_space<hbm>> -> memref<1x1x125x80xi32, #tpu.memory_space<hbm>>
      %dma_wait3A_169 = tpu.memref_squeeze %dma_wait3A_168 : memref<1x1x125x80xi32, #tpu.memory_space<hbm>> -> memref<125x80xi32, #tpu.memory_space<hbm>>
      %dma_wait3A_170 = arith.constant 0 : i32
      %dma_wait3A_171 = arith.constant 0 : i32
      %dma_wait3A_172 = tpu.memref_slice %arg3[%run_scoped3A, %add3A, %dma_wait3A_170, %dma_wait3A_171] : memref<2x32x125x80xi32, #tpu.memory_space<hbm>> -> memref<1x1x125x80xi32, #tpu.memory_space<hbm>>
      %dma_wait3A_173 = tpu.memref_squeeze %dma_wait3A_172 : memref<1x1x125x80xi32, #tpu.memory_space<hbm>> -> memref<125x80xi32, #tpu.memory_space<hbm>>
      tpu.wait_dma2 semaphore(%run_scoped3A_158 : memref<!tpu.dma_semaphore, #tpu.memory_space<semaphore_mem>>) src(%dma_wait3A_173 : memref<125x80xi32, #tpu.memory_space<hbm>>) dst(%arg6 : memref<125x80xi32, #tpu.memory_space<vmem>>)
      tpu.yield
    }) : () -> ()
    %run_scoped3A_3 = arith.constant 1 : i32
    "tpu.region"() ({
      %run_scoped3A_158 = tpu.sem_alloc : memref<!tpu.dma_semaphore, #tpu.memory_space<semaphore_mem>>
      %dma_start3A = arith.constant 0 : i32
      %dma_start3A_159 = arith.constant 0 : i32
      %dma_start3A_160 = tpu.memref_slice %arg3[%run_scoped3A_3, %add3A, %dma_start3A, %dma_start3A_159] : memref<2x32x125x80xi32, #tpu.memory_space<hbm>> -> memref<1x1x125x80xi32, #tpu.memory_space<hbm>>
      %dma_start3A_161 = tpu.memref_squeeze %dma_start3A_160 : memref<1x1x125x80xi32, #tpu.memory_space<hbm>> -> memref<125x80xi32, #tpu.memory_space<hbm>>
      %dma_start3A_162 = arith.constant 0 : i32
      %dma_start3A_163 = arith.constant 0 : i32
      %dma_start3A_164 = tpu.memref_slice %arg3[%run_scoped3A_3, %add3A, %dma_start3A_162, %dma_start3A_163] : memref<2x32x125x80xi32, #tpu.memory_space<hbm>> -> memref<1x1x125x80xi32, #tpu.memory_space<hbm>>
      %dma_start3A_165 = tpu.memref_squeeze %dma_start3A_164 : memref<1x1x125x80xi32, #tpu.memory_space<hbm>> -> memref<125x80xi32, #tpu.memory_space<hbm>>
      tpu.enqueue_dma source(%dma_start3A_165 : memref<125x80xi32, #tpu.memory_space<hbm>>) target(%arg7 : memref<125x80xi32, #tpu.memory_space<vmem>>) target_semaphore(%run_scoped3A_158 : memref<!tpu.dma_semaphore, #tpu.memory_space<semaphore_mem>>)
      %dma_wait3A_166 = arith.constant 0 : i32
      %dma_wait3A_167 = arith.constant 0 : i32
      %dma_wait3A_168 = tpu.memref_slice %arg3[%run_scoped3A_3, %add3A, %dma_wait3A_166, %dma_wait3A_167] : memref<2x32x125x80xi32, #tpu.memory_space<hbm>> -> memref<1x1x125x80xi32, #tpu.memory_space<hbm>>
      %dma_wait3A_169 = tpu.memref_squeeze %dma_wait3A_168 : memref<1x1x125x80xi32, #tpu.memory_space<hbm>> -> memref<125x80xi32, #tpu.memory_space<hbm>>
      %dma_wait3A_170 = arith.constant 0 : i32
      %dma_wait3A_171 = arith.constant 0 : i32
      %dma_wait3A_172 = tpu.memref_slice %arg3[%run_scoped3A_3, %add3A, %dma_wait3A_170, %dma_wait3A_171] : memref<2x32x125x80xi32, #tpu.memory_space<hbm>> -> memref<1x1x125x80xi32, #tpu.memory_space<hbm>>
      %dma_wait3A_173 = tpu.memref_squeeze %dma_wait3A_172 : memref<1x1x125x80xi32, #tpu.memory_space<hbm>> -> memref<125x80xi32, #tpu.memory_space<hbm>>
      tpu.wait_dma2 semaphore(%run_scoped3A_158 : memref<!tpu.dma_semaphore, #tpu.memory_space<semaphore_mem>>) src(%dma_wait3A_173 : memref<125x80xi32, #tpu.memory_space<hbm>>) dst(%arg7 : memref<125x80xi32, #tpu.memory_space<vmem>>)
      tpu.yield
    }) : () -> ()
    %barrier3A = arith.constant 0 : index
    tpu.barrier barrier_id(%barrier3A)
    %scan3A = arith.constant 0 : i32
    %scan3A_4 = arith.constant 0 : i32
    %scan3A_5 = arith.constant 131 : i32
    %scan3A_6 = arith.addi %scan3A_4, %scan3A_5 : i32
    %scan3A_7 = arith.constant 1 : i32
    scf.for %scan3A_158 = %scan3A_4 to %scan3A_6 step %scan3A_7  : i32 {
      %rem3A = arith.constant 12 : i32
      %rem3A_159 = arith.remsi %scan3A_158, %rem3A : i32
      %lt3A = arith.constant 125 : i32
      %lt3A_160 = arith.cmpi slt, %scan3A_158, %lt3A : i32
      %convert_element_type3A_161 = arith.extui %lt3A_160 : i1 to i32
      %cond3A_162 = arith.constant 0 : i32
      %cond3A_163 = arith.cmpi ne, %convert_element_type3A_161, %cond3A_162 : i32
      scf.if %cond3A_163 {
        %ge3A_168 = arith.constant 12 : i32
        %ge3A_169 = arith.cmpi sge, %scan3A_158, %ge3A_168 : i32
        %convert_element_type3A_170 = arith.extui %ge3A_169 : i1 to i32
        %cond3A_171 = arith.constant 0 : i32
        %cond3A_172 = arith.cmpi ne, %convert_element_type3A_170, %cond3A_171 : i32
        scf.if %cond3A_172 {
          %dma_wait3A_182 = arith.constant 0 : i32
          %dma_wait3A_183 = arith.constant 0 : i32
          %dma_wait3A_184 = arith.constant 0 : i32
          %dma_wait3A_185 = tpu.memref_slice %arg8[%rem3A_159, %dma_wait3A_183, %dma_wait3A_184] : memref<12x80x48xf32, #tpu.memory_space<vmem>> -> memref<1x80x48xf32, #tpu.memory_space<vmem>>
          %dma_wait3A_186 = tpu.memref_squeeze %dma_wait3A_185 : memref<1x80x48xf32, #tpu.memory_space<vmem>> -> memref<80x48xf32, #tpu.memory_space<vmem>>
          %dma_wait3A_187 = arith.constant 0 : i32
          %dma_wait3A_188 = tpu.memref_slice %arg7[%dma_wait3A_182, %dma_wait3A_187] : memref<125x80xi32, #tpu.memory_space<vmem>> -> memref<1x80xi32, #tpu.memory_space<vmem>>
          %dma_wait3A_189 = tpu.memref_squeeze %dma_wait3A_188 : memref<1x80xi32, #tpu.memory_space<vmem>> -> memref<80xi32, #tpu.memory_space<vmem>>
          %dma_wait3A_190 = arith.constant 0 : i32
          %dma_wait3A_191 = arith.constant 0 : i32
          %dma_wait3A_192 = tpu.memref_slice %arg9[%dma_wait3A_190, %dma_wait3A_191] : memref<10016x48xf32, #tpu.memory_space<vmem_shared>> -> memref<10016x48xf32, #tpu.memory_space<vmem_shared>>
          tpu.wait_indirect_dma semaphore(%arg11 : memref<!tpu.dma_semaphore, #tpu.memory_space<semaphore_mem>>) src(%dma_wait3A_186 : memref<80x48xf32, #tpu.memory_space<vmem>>) dst(%dma_wait3A_192 : memref<10016x48xf32, #tpu.memory_space<vmem_shared>>)
        } else {
        }
        %dma_start3A = arith.constant 0 : i32
        %dma_start3A_173 = arith.constant 0 : i32
        %dma_start3A_174 = tpu.memref_slice %arg8[%rem3A_159, %dma_start3A, %dma_start3A_173] : memref<12x80x48xf32, #tpu.memory_space<vmem>> -> memref<1x80x48xf32, #tpu.memory_space<vmem>>
        %dma_start3A_175 = tpu.memref_squeeze %dma_start3A_174 : memref<1x80x48xf32, #tpu.memory_space<vmem>> -> memref<80x48xf32, #tpu.memory_space<vmem>>
        %dma_start3A_176 = arith.constant 0 : i32
        %dma_start3A_177 = tpu.memref_slice %arg6[%scan3A_158, %dma_start3A_176] : memref<125x80xi32, #tpu.memory_space<vmem>> -> memref<1x80xi32, #tpu.memory_space<vmem>>
        %dma_start3A_178 = tpu.memref_squeeze %dma_start3A_177 : memref<1x80xi32, #tpu.memory_space<vmem>> -> memref<80xi32, #tpu.memory_space<vmem>>
        %dma_start3A_179 = arith.constant 0 : i32
        %dma_start3A_180 = arith.constant 0 : i32
        %dma_start3A_181 = tpu.memref_slice %arg2[%dma_start3A_179, %dma_start3A_180] : memref<10000x48xf32, #tpu.memory_space<hbm>> -> memref<10000x48xf32, #tpu.memory_space<hbm>>
        tpu.enqueue_indirect_dma source(%dma_start3A_181 : memref<10000x48xf32, #tpu.memory_space<hbm>>) target(%dma_start3A_175 : memref<80x48xf32, #tpu.memory_space<vmem>>) offsets(%dma_start3A_178 : memref<80xi32, #tpu.memory_space<vmem>>) semaphore(%arg10 : memref<!tpu.dma_semaphore, #tpu.memory_space<semaphore_mem>>)
      } else {
      }
      %ge3A = arith.constant 6 : i32
      %ge3A_164 = arith.cmpi sge, %scan3A_158, %ge3A : i32
      %convert_element_type3A_165 = arith.extui %ge3A_164 : i1 to i32
      %cond3A_166 = arith.constant 0 : i32
      %cond3A_167 = arith.cmpi ne, %convert_element_type3A_165, %cond3A_166 : i32
      scf.if %cond3A_167 {
        %sub3A = arith.constant 6 : i32
        %sub3A_168 = arith.subi %scan3A_158, %sub3A : i32
        %rem3A_169 = arith.constant 12 : i32
        %rem3A_170 = arith.remsi %sub3A_168, %rem3A_169 : i32
        %dma_wait3A_171 = arith.constant 0 : i32
        %dma_wait3A_172 = arith.constant 0 : i32
        %dma_wait3A_173 = arith.constant 0 : i32
        %dma_wait3A_174 = tpu.memref_slice %arg8[%rem3A_170, %dma_wait3A_172, %dma_wait3A_173] : memref<12x80x48xf32, #tpu.memory_space<vmem>> -> memref<1x80x48xf32, #tpu.memory_space<vmem>>
        %dma_wait3A_175 = tpu.memref_squeeze %dma_wait3A_174 : memref<1x80x48xf32, #tpu.memory_space<vmem>> -> memref<80x48xf32, #tpu.memory_space<vmem>>
        %dma_wait3A_176 = arith.constant 0 : i32
        %dma_wait3A_177 = tpu.memref_slice %arg6[%dma_wait3A_171, %dma_wait3A_176] : memref<125x80xi32, #tpu.memory_space<vmem>> -> memref<1x80xi32, #tpu.memory_space<vmem>>
        %dma_wait3A_178 = tpu.memref_squeeze %dma_wait3A_177 : memref<1x80xi32, #tpu.memory_space<vmem>> -> memref<80xi32, #tpu.memory_space<vmem>>
        %dma_wait3A_179 = arith.constant 0 : i32
        %dma_wait3A_180 = arith.constant 0 : i32
        %dma_wait3A_181 = tpu.memref_slice %arg2[%dma_wait3A_179, %dma_wait3A_180] : memref<10000x48xf32, #tpu.memory_space<hbm>> -> memref<10000x48xf32, #tpu.memory_space<hbm>>
        tpu.wait_indirect_dma semaphore(%arg10 : memref<!tpu.dma_semaphore, #tpu.memory_space<semaphore_mem>>) src(%dma_wait3A_181 : memref<10000x48xf32, #tpu.memory_space<hbm>>) dst(%dma_wait3A_175 : memref<80x48xf32, #tpu.memory_space<vmem>>)
        %sub3A_182 = arith.constant 6 : i32
        %sub3A_183 = arith.subi %scan3A_158, %sub3A_182 : i32
        %dma_start3A = arith.constant 0 : i32
        %dma_start3A_184 = arith.constant 0 : i32
        %dma_start3A_185 = tpu.memref_slice %arg8[%rem3A_170, %dma_start3A, %dma_start3A_184] : memref<12x80x48xf32, #tpu.memory_space<vmem>> -> memref<1x80x48xf32, #tpu.memory_space<vmem>>
        %dma_start3A_186 = tpu.memref_squeeze %dma_start3A_185 : memref<1x80x48xf32, #tpu.memory_space<vmem>> -> memref<80x48xf32, #tpu.memory_space<vmem>>
        %dma_start3A_187 = arith.constant 0 : i32
        %dma_start3A_188 = tpu.memref_slice %arg7[%sub3A_183, %dma_start3A_187] : memref<125x80xi32, #tpu.memory_space<vmem>> -> memref<1x80xi32, #tpu.memory_space<vmem>>
        %dma_start3A_189 = tpu.memref_squeeze %dma_start3A_188 : memref<1x80xi32, #tpu.memory_space<vmem>> -> memref<80xi32, #tpu.memory_space<vmem>>
        %dma_start3A_190 = arith.constant 0 : i32
        %dma_start3A_191 = arith.constant 0 : i32
        %dma_start3A_192 = tpu.memref_slice %arg9[%dma_start3A_190, %dma_start3A_191] : memref<10016x48xf32, #tpu.memory_space<vmem_shared>> -> memref<10016x48xf32, #tpu.memory_space<vmem_shared>>
        tpu.enqueue_indirect_dma source(%dma_start3A_186 : memref<80x48xf32, #tpu.memory_space<vmem>>) target(%dma_start3A_192 : memref<10016x48xf32, #tpu.memory_space<vmem_shared>>) offsets(%dma_start3A_189 : memref<80xi32, #tpu.memory_space<vmem>>) semaphore(%arg11 : memref<!tpu.dma_semaphore, #tpu.memory_space<semaphore_mem>>) {add = true}
      } else {
      }
    }
    %scan3A_8 = arith.constant 131 : i32
    %dma_wait3A = arith.constant 0 : i32
    %dma_wait3A_9 = arith.constant 0 : i32
    %dma_wait3A_10 = arith.constant 0 : i32
    %dma_wait3A_11 = arith.constant 0 : i32
    %dma_wait3A_12 = tpu.memref_slice %arg8[%dma_wait3A, %dma_wait3A_10, %dma_wait3A_11] : memref<12x80x48xf32, #tpu.memory_space<vmem>> -> memref<1x80x48xf32, #tpu.memory_space<vmem>>
    %dma_wait3A_13 = tpu.memref_squeeze %dma_wait3A_12 : memref<1x80x48xf32, #tpu.memory_space<vmem>> -> memref<80x48xf32, #tpu.memory_space<vmem>>
    %dma_wait3A_14 = arith.constant 0 : i32
    %dma_wait3A_15 = tpu.memref_slice %arg7[%dma_wait3A_9, %dma_wait3A_14] : memref<125x80xi32, #tpu.memory_space<vmem>> -> memref<1x80xi32, #tpu.memory_space<vmem>>
    %dma_wait3A_16 = tpu.memref_squeeze %dma_wait3A_15 : memref<1x80xi32, #tpu.memory_space<vmem>> -> memref<80xi32, #tpu.memory_space<vmem>>
    %dma_wait3A_17 = arith.constant 0 : i32
    %dma_wait3A_18 = arith.constant 0 : i32
    %dma_wait3A_19 = tpu.memref_slice %arg9[%dma_wait3A_17, %dma_wait3A_18] : memref<10016x48xf32, #tpu.memory_space<vmem_shared>> -> memref<10016x48xf32, #tpu.memory_space<vmem_shared>>
    tpu.wait_indirect_dma semaphore(%arg11 : memref<!tpu.dma_semaphore, #tpu.memory_space<semaphore_mem>>) src(%dma_wait3A_13 : memref<80x48xf32, #tpu.memory_space<vmem>>) dst(%dma_wait3A_19 : memref<10016x48xf32, #tpu.memory_space<vmem_shared>>)
    %dma_wait3A_20 = arith.constant 0 : i32
    %dma_wait3A_21 = arith.constant 0 : i32
    %dma_wait3A_22 = arith.constant 0 : i32
    %dma_wait3A_23 = arith.constant 0 : i32
    %dma_wait3A_24 = tpu.memref_slice %arg8[%dma_wait3A_20, %dma_wait3A_22, %dma_wait3A_23] : memref<12x80x48xf32, #tpu.memory_space<vmem>> -> memref<1x80x48xf32, #tpu.memory_space<vmem>>
    %dma_wait3A_25 = tpu.memref_squeeze %dma_wait3A_24 : memref<1x80x48xf32, #tpu.memory_space<vmem>> -> memref<80x48xf32, #tpu.memory_space<vmem>>
    %dma_wait3A_26 = arith.constant 0 : i32
    %dma_wait3A_27 = tpu.memref_slice %arg7[%dma_wait3A_21, %dma_wait3A_26] : memref<125x80xi32, #tpu.memory_space<vmem>> -> memref<1x80xi32, #tpu.memory_space<vmem>>
    %dma_wait3A_28 = tpu.memref_squeeze %dma_wait3A_27 : memref<1x80xi32, #tpu.memory_space<vmem>> -> memref<80xi32, #tpu.memory_space<vmem>>
    %dma_wait3A_29 = arith.constant 0 : i32
    %dma_wait3A_30 = arith.constant 0 : i32
    %dma_wait3A_31 = tpu.memref_slice %arg9[%dma_wait3A_29, %dma_wait3A_30] : memref<10016x48xf32, #tpu.memory_space<vmem_shared>> -> memref<10016x48xf32, #tpu.memory_space<vmem_shared>>
    tpu.wait_indirect_dma semaphore(%arg11 : memref<!tpu.dma_semaphore, #tpu.memory_space<semaphore_mem>>) src(%dma_wait3A_25 : memref<80x48xf32, #tpu.memory_space<vmem>>) dst(%dma_wait3A_31 : memref<10016x48xf32, #tpu.memory_space<vmem_shared>>)
    %dma_wait3A_32 = arith.constant 0 : i32
    %dma_wait3A_33 = arith.constant 0 : i32
    %dma_wait3A_34 = arith.constant 0 : i32
    %dma_wait3A_35 = arith.constant 0 : i32
    %dma_wait3A_36 = tpu.memref_slice %arg8[%dma_wait3A_32, %dma_wait3A_34, %dma_wait3A_35] : memref<12x80x48xf32, #tpu.memory_space<vmem>> -> memref<1x80x48xf32, #tpu.memory_space<vmem>>
    %dma_wait3A_37 = tpu.memref_squeeze %dma_wait3A_36 : memref<1x80x48xf32, #tpu.memory_space<vmem>> -> memref<80x48xf32, #tpu.memory_space<vmem>>
    %dma_wait3A_38 = arith.constant 0 : i32
    %dma_wait3A_39 = tpu.memref_slice %arg7[%dma_wait3A_33, %dma_wait3A_38] : memref<125x80xi32, #tpu.memory_space<vmem>> -> memref<1x80xi32, #tpu.memory_space<vmem>>
    %dma_wait3A_40 = tpu.memref_squeeze %dma_wait3A_39 : memref<1x80xi32, #tpu.memory_space<vmem>> -> memref<80xi32, #tpu.memory_space<vmem>>
    %dma_wait3A_41 = arith.constant 0 : i32
    %dma_wait3A_42 = arith.constant 0 : i32
    %dma_wait3A_43 = tpu.memref_slice %arg9[%dma_wait3A_41, %dma_wait3A_42] : memref<10016x48xf32, #tpu.memory_space<vmem_shared>> -> memref<10016x48xf32, #tpu.memory_space<vmem_shared>>
    tpu.wait_indirect_dma semaphore(%arg11 : memref<!tpu.dma_semaphore, #tpu.memory_space<semaphore_mem>>) src(%dma_wait3A_37 : memref<80x48xf32, #tpu.memory_space<vmem>>) dst(%dma_wait3A_43 : memref<10016x48xf32, #tpu.memory_space<vmem_shared>>)
    %dma_wait3A_44 = arith.constant 0 : i32
    %dma_wait3A_45 = arith.constant 0 : i32
    %dma_wait3A_46 = arith.constant 0 : i32
    %dma_wait3A_47 = arith.constant 0 : i32
    %dma_wait3A_48 = tpu.memref_slice %arg8[%dma_wait3A_44, %dma_wait3A_46, %dma_wait3A_47] : memref<12x80x48xf32, #tpu.memory_space<vmem>> -> memref<1x80x48xf32, #tpu.memory_space<vmem>>
    %dma_wait3A_49 = tpu.memref_squeeze %dma_wait3A_48 : memref<1x80x48xf32, #tpu.memory_space<vmem>> -> memref<80x48xf32, #tpu.memory_space<vmem>>
    %dma_wait3A_50 = arith.constant 0 : i32
    %dma_wait3A_51 = tpu.memref_slice %arg7[%dma_wait3A_45, %dma_wait3A_50] : memref<125x80xi32, #tpu.memory_space<vmem>> -> memref<1x80xi32, #tpu.memory_space<vmem>>
    %dma_wait3A_52 = tpu.memref_squeeze %dma_wait3A_51 : memref<1x80xi32, #tpu.memory_space<vmem>> -> memref<80xi32, #tpu.memory_space<vmem>>
    %dma_wait3A_53 = arith.constant 0 : i32
    %dma_wait3A_54 = arith.constant 0 : i32
    %dma_wait3A_55 = tpu.memref_slice %arg9[%dma_wait3A_53, %dma_wait3A_54] : memref<10016x48xf32, #tpu.memory_space<vmem_shared>> -> memref<10016x48xf32, #tpu.memory_space<vmem_shared>>
    tpu.wait_indirect_dma semaphore(%arg11 : memref<!tpu.dma_semaphore, #tpu.memory_space<semaphore_mem>>) src(%dma_wait3A_49 : memref<80x48xf32, #tpu.memory_space<vmem>>) dst(%dma_wait3A_55 : memref<10016x48xf32, #tpu.memory_space<vmem_shared>>)
    %dma_wait3A_56 = arith.constant 0 : i32
    %dma_wait3A_57 = arith.constant 0 : i32
    %dma_wait3A_58 = arith.constant 0 : i32
    %dma_wait3A_59 = arith.constant 0 : i32
    %dma_wait3A_60 = tpu.memref_slice %arg8[%dma_wait3A_56, %dma_wait3A_58, %dma_wait3A_59] : memref<12x80x48xf32, #tpu.memory_space<vmem>> -> memref<1x80x48xf32, #tpu.memory_space<vmem>>
    %dma_wait3A_61 = tpu.memref_squeeze %dma_wait3A_60 : memref<1x80x48xf32, #tpu.memory_space<vmem>> -> memref<80x48xf32, #tpu.memory_space<vmem>>
    %dma_wait3A_62 = arith.constant 0 : i32
    %dma_wait3A_63 = tpu.memref_slice %arg7[%dma_wait3A_57, %dma_wait3A_62] : memref<125x80xi32, #tpu.memory_space<vmem>> -> memref<1x80xi32, #tpu.memory_space<vmem>>
    %dma_wait3A_64 = tpu.memref_squeeze %dma_wait3A_63 : memref<1x80xi32, #tpu.memory_space<vmem>> -> memref<80xi32, #tpu.memory_space<vmem>>
    %dma_wait3A_65 = arith.constant 0 : i32
    %dma_wait3A_66 = arith.constant 0 : i32
    %dma_wait3A_67 = tpu.memref_slice %arg9[%dma_wait3A_65, %dma_wait3A_66] : memref<10016x48xf32, #tpu.memory_space<vmem_shared>> -> memref<10016x48xf32, #tpu.memory_space<vmem_shared>>
    tpu.wait_indirect_dma semaphore(%arg11 : memref<!tpu.dma_semaphore, #tpu.memory_space<semaphore_mem>>) src(%dma_wait3A_61 : memref<80x48xf32, #tpu.memory_space<vmem>>) dst(%dma_wait3A_67 : memref<10016x48xf32, #tpu.memory_space<vmem_shared>>)
    %dma_wait3A_68 = arith.constant 0 : i32
    %dma_wait3A_69 = arith.constant 0 : i32
    %dma_wait3A_70 = arith.constant 0 : i32
    %dma_wait3A_71 = arith.constant 0 : i32
    %dma_wait3A_72 = tpu.memref_slice %arg8[%dma_wait3A_68, %dma_wait3A_70, %dma_wait3A_71] : memref<12x80x48xf32, #tpu.memory_space<vmem>> -> memref<1x80x48xf32, #tpu.memory_space<vmem>>
    %dma_wait3A_73 = tpu.memref_squeeze %dma_wait3A_72 : memref<1x80x48xf32, #tpu.memory_space<vmem>> -> memref<80x48xf32, #tpu.memory_space<vmem>>
    %dma_wait3A_74 = arith.constant 0 : i32
    %dma_wait3A_75 = tpu.memref_slice %arg7[%dma_wait3A_69, %dma_wait3A_74] : memref<125x80xi32, #tpu.memory_space<vmem>> -> memref<1x80xi32, #tpu.memory_space<vmem>>
    %dma_wait3A_76 = tpu.memref_squeeze %dma_wait3A_75 : memref<1x80xi32, #tpu.memory_space<vmem>> -> memref<80xi32, #tpu.memory_space<vmem>>
    %dma_wait3A_77 = arith.constant 0 : i32
    %dma_wait3A_78 = arith.constant 0 : i32
    %dma_wait3A_79 = tpu.memref_slice %arg9[%dma_wait3A_77, %dma_wait3A_78] : memref<10016x48xf32, #tpu.memory_space<vmem_shared>> -> memref<10016x48xf32, #tpu.memory_space<vmem_shared>>
    tpu.wait_indirect_dma semaphore(%arg11 : memref<!tpu.dma_semaphore, #tpu.memory_space<semaphore_mem>>) src(%dma_wait3A_73 : memref<80x48xf32, #tpu.memory_space<vmem>>) dst(%dma_wait3A_79 : memref<10016x48xf32, #tpu.memory_space<vmem_shared>>)
    %dma_wait3A_80 = arith.constant 0 : i32
    %dma_wait3A_81 = arith.constant 0 : i32
    %dma_wait3A_82 = arith.constant 0 : i32
    %dma_wait3A_83 = arith.constant 0 : i32
    %dma_wait3A_84 = tpu.memref_slice %arg8[%dma_wait3A_80, %dma_wait3A_82, %dma_wait3A_83] : memref<12x80x48xf32, #tpu.memory_space<vmem>> -> memref<1x80x48xf32, #tpu.memory_space<vmem>>
    %dma_wait3A_85 = tpu.memref_squeeze %dma_wait3A_84 : memref<1x80x48xf32, #tpu.memory_space<vmem>> -> memref<80x48xf32, #tpu.memory_space<vmem>>
    %dma_wait3A_86 = arith.constant 0 : i32
    %dma_wait3A_87 = tpu.memref_slice %arg7[%dma_wait3A_81, %dma_wait3A_86] : memref<125x80xi32, #tpu.memory_space<vmem>> -> memref<1x80xi32, #tpu.memory_space<vmem>>
    %dma_wait3A_88 = tpu.memref_squeeze %dma_wait3A_87 : memref<1x80xi32, #tpu.memory_space<vmem>> -> memref<80xi32, #tpu.memory_space<vmem>>
    %dma_wait3A_89 = arith.constant 0 : i32
    %dma_wait3A_90 = arith.constant 0 : i32
    %dma_wait3A_91 = tpu.memref_slice %arg9[%dma_wait3A_89, %dma_wait3A_90] : memref<10016x48xf32, #tpu.memory_space<vmem_shared>> -> memref<10016x48xf32, #tpu.memory_space<vmem_shared>>
    tpu.wait_indirect_dma semaphore(%arg11 : memref<!tpu.dma_semaphore, #tpu.memory_space<semaphore_mem>>) src(%dma_wait3A_85 : memref<80x48xf32, #tpu.memory_space<vmem>>) dst(%dma_wait3A_91 : memref<10016x48xf32, #tpu.memory_space<vmem_shared>>)
    %dma_wait3A_92 = arith.constant 0 : i32
    %dma_wait3A_93 = arith.constant 0 : i32
    %dma_wait3A_94 = arith.constant 0 : i32
    %dma_wait3A_95 = arith.constant 0 : i32
    %dma_wait3A_96 = tpu.memref_slice %arg8[%dma_wait3A_92, %dma_wait3A_94, %dma_wait3A_95] : memref<12x80x48xf32, #tpu.memory_space<vmem>> -> memref<1x80x48xf32, #tpu.memory_space<vmem>>
    %dma_wait3A_97 = tpu.memref_squeeze %dma_wait3A_96 : memref<1x80x48xf32, #tpu.memory_space<vmem>> -> memref<80x48xf32, #tpu.memory_space<vmem>>
    %dma_wait3A_98 = arith.constant 0 : i32
    %dma_wait3A_99 = tpu.memref_slice %arg7[%dma_wait3A_93, %dma_wait3A_98] : memref<125x80xi32, #tpu.memory_space<vmem>> -> memref<1x80xi32, #tpu.memory_space<vmem>>
    %dma_wait3A_100 = tpu.memref_squeeze %dma_wait3A_99 : memref<1x80xi32, #tpu.memory_space<vmem>> -> memref<80xi32, #tpu.memory_space<vmem>>
    %dma_wait3A_101 = arith.constant 0 : i32
    %dma_wait3A_102 = arith.constant 0 : i32
    %dma_wait3A_103 = tpu.memref_slice %arg9[%dma_wait3A_101, %dma_wait3A_102] : memref<10016x48xf32, #tpu.memory_space<vmem_shared>> -> memref<10016x48xf32, #tpu.memory_space<vmem_shared>>
    tpu.wait_indirect_dma semaphore(%arg11 : memref<!tpu.dma_semaphore, #tpu.memory_space<semaphore_mem>>) src(%dma_wait3A_97 : memref<80x48xf32, #tpu.memory_space<vmem>>) dst(%dma_wait3A_103 : memref<10016x48xf32, #tpu.memory_space<vmem_shared>>)
    %dma_wait3A_104 = arith.constant 0 : i32
    %dma_wait3A_105 = arith.constant 0 : i32
    %dma_wait3A_106 = arith.constant 0 : i32
    %dma_wait3A_107 = arith.constant 0 : i32
    %dma_wait3A_108 = tpu.memref_slice %arg8[%dma_wait3A_104, %dma_wait3A_106, %dma_wait3A_107] : memref<12x80x48xf32, #tpu.memory_space<vmem>> -> memref<1x80x48xf32, #tpu.memory_space<vmem>>
    %dma_wait3A_109 = tpu.memref_squeeze %dma_wait3A_108 : memref<1x80x48xf32, #tpu.memory_space<vmem>> -> memref<80x48xf32, #tpu.memory_space<vmem>>
    %dma_wait3A_110 = arith.constant 0 : i32
    %dma_wait3A_111 = tpu.memref_slice %arg7[%dma_wait3A_105, %dma_wait3A_110] : memref<125x80xi32, #tpu.memory_space<vmem>> -> memref<1x80xi32, #tpu.memory_space<vmem>>
    %dma_wait3A_112 = tpu.memref_squeeze %dma_wait3A_111 : memref<1x80xi32, #tpu.memory_space<vmem>> -> memref<80xi32, #tpu.memory_space<vmem>>
    %dma_wait3A_113 = arith.constant 0 : i32
    %dma_wait3A_114 = arith.constant 0 : i32
    %dma_wait3A_115 = tpu.memref_slice %arg9[%dma_wait3A_113, %dma_wait3A_114] : memref<10016x48xf32, #tpu.memory_space<vmem_shared>> -> memref<10016x48xf32, #tpu.memory_space<vmem_shared>>
    tpu.wait_indirect_dma semaphore(%arg11 : memref<!tpu.dma_semaphore, #tpu.memory_space<semaphore_mem>>) src(%dma_wait3A_109 : memref<80x48xf32, #tpu.memory_space<vmem>>) dst(%dma_wait3A_115 : memref<10016x48xf32, #tpu.memory_space<vmem_shared>>)
    %dma_wait3A_116 = arith.constant 0 : i32
    %dma_wait3A_117 = arith.constant 0 : i32
    %dma_wait3A_118 = arith.constant 0 : i32
    %dma_wait3A_119 = arith.constant 0 : i32
    %dma_wait3A_120 = tpu.memref_slice %arg8[%dma_wait3A_116, %dma_wait3A_118, %dma_wait3A_119] : memref<12x80x48xf32, #tpu.memory_space<vmem>> -> memref<1x80x48xf32, #tpu.memory_space<vmem>>
    %dma_wait3A_121 = tpu.memref_squeeze %dma_wait3A_120 : memref<1x80x48xf32, #tpu.memory_space<vmem>> -> memref<80x48xf32, #tpu.memory_space<vmem>>
    %dma_wait3A_122 = arith.constant 0 : i32
    %dma_wait3A_123 = tpu.memref_slice %arg7[%dma_wait3A_117, %dma_wait3A_122] : memref<125x80xi32, #tpu.memory_space<vmem>> -> memref<1x80xi32, #tpu.memory_space<vmem>>
    %dma_wait3A_124 = tpu.memref_squeeze %dma_wait3A_123 : memref<1x80xi32, #tpu.memory_space<vmem>> -> memref<80xi32, #tpu.memory_space<vmem>>
    %dma_wait3A_125 = arith.constant 0 : i32
    %dma_wait3A_126 = arith.constant 0 : i32
    %dma_wait3A_127 = tpu.memref_slice %arg9[%dma_wait3A_125, %dma_wait3A_126] : memref<10016x48xf32, #tpu.memory_space<vmem_shared>> -> memref<10016x48xf32, #tpu.memory_space<vmem_shared>>
    tpu.wait_indirect_dma semaphore(%arg11 : memref<!tpu.dma_semaphore, #tpu.memory_space<semaphore_mem>>) src(%dma_wait3A_121 : memref<80x48xf32, #tpu.memory_space<vmem>>) dst(%dma_wait3A_127 : memref<10016x48xf32, #tpu.memory_space<vmem_shared>>)
    %dma_wait3A_128 = arith.constant 0 : i32
    %dma_wait3A_129 = arith.constant 0 : i32
    %dma_wait3A_130 = arith.constant 0 : i32
    %dma_wait3A_131 = arith.constant 0 : i32
    %dma_wait3A_132 = tpu.memref_slice %arg8[%dma_wait3A_128, %dma_wait3A_130, %dma_wait3A_131] : memref<12x80x48xf32, #tpu.memory_space<vmem>> -> memref<1x80x48xf32, #tpu.memory_space<vmem>>
    %dma_wait3A_133 = tpu.memref_squeeze %dma_wait3A_132 : memref<1x80x48xf32, #tpu.memory_space<vmem>> -> memref<80x48xf32, #tpu.memory_space<vmem>>
    %dma_wait3A_134 = arith.constant 0 : i32
    %dma_wait3A_135 = tpu.memref_slice %arg7[%dma_wait3A_129, %dma_wait3A_134] : memref<125x80xi32, #tpu.memory_space<vmem>> -> memref<1x80xi32, #tpu.memory_space<vmem>>
    %dma_wait3A_136 = tpu.memref_squeeze %dma_wait3A_135 : memref<1x80xi32, #tpu.memory_space<vmem>> -> memref<80xi32, #tpu.memory_space<vmem>>
    %dma_wait3A_137 = arith.constant 0 : i32
    %dma_wait3A_138 = arith.constant 0 : i32
    %dma_wait3A_139 = tpu.memref_slice %arg9[%dma_wait3A_137, %dma_wait3A_138] : memref<10016x48xf32, #tpu.memory_space<vmem_shared>> -> memref<10016x48xf32, #tpu.memory_space<vmem_shared>>
    tpu.wait_indirect_dma semaphore(%arg11 : memref<!tpu.dma_semaphore, #tpu.memory_space<semaphore_mem>>) src(%dma_wait3A_133 : memref<80x48xf32, #tpu.memory_space<vmem>>) dst(%dma_wait3A_139 : memref<10016x48xf32, #tpu.memory_space<vmem_shared>>)
    %dma_wait3A_140 = arith.constant 0 : i32
    %dma_wait3A_141 = arith.constant 0 : i32
    %dma_wait3A_142 = arith.constant 0 : i32
    %dma_wait3A_143 = arith.constant 0 : i32
    %dma_wait3A_144 = tpu.memref_slice %arg8[%dma_wait3A_140, %dma_wait3A_142, %dma_wait3A_143] : memref<12x80x48xf32, #tpu.memory_space<vmem>> -> memref<1x80x48xf32, #tpu.memory_space<vmem>>
    %dma_wait3A_145 = tpu.memref_squeeze %dma_wait3A_144 : memref<1x80x48xf32, #tpu.memory_space<vmem>> -> memref<80x48xf32, #tpu.memory_space<vmem>>
    %dma_wait3A_146 = arith.constant 0 : i32
    %dma_wait3A_147 = tpu.memref_slice %arg7[%dma_wait3A_141, %dma_wait3A_146] : memref<125x80xi32, #tpu.memory_space<vmem>> -> memref<1x80xi32, #tpu.memory_space<vmem>>
    %dma_wait3A_148 = tpu.memref_squeeze %dma_wait3A_147 : memref<1x80xi32, #tpu.memory_space<vmem>> -> memref<80xi32, #tpu.memory_space<vmem>>
    %dma_wait3A_149 = arith.constant 0 : i32
    %dma_wait3A_150 = arith.constant 0 : i32
    %dma_wait3A_151 = tpu.memref_slice %arg9[%dma_wait3A_149, %dma_wait3A_150] : memref<10016x48xf32, #tpu.memory_space<vmem_shared>> -> memref<10016x48xf32, #tpu.memory_space<vmem_shared>>
    tpu.wait_indirect_dma semaphore(%arg11 : memref<!tpu.dma_semaphore, #tpu.memory_space<semaphore_mem>>) src(%dma_wait3A_145 : memref<80x48xf32, #tpu.memory_space<vmem>>) dst(%dma_wait3A_151 : memref<10016x48xf32, #tpu.memory_space<vmem_shared>>)
    %barrier3A_152 = arith.constant 0 : index
    tpu.barrier barrier_id(%barrier3A_152)
    %eq3A_153 = arith.constant 0 : i32
    %eq3A_154 = arith.cmpi eq, %arg1, %eq3A_153 : i32
    %convert_element_type3A_155 = arith.extui %eq3A_154 : i1 to i32
    %cond3A_156 = arith.constant 0 : i32
    %cond3A_157 = arith.cmpi ne, %convert_element_type3A_155, %cond3A_156 : i32
    scf.if %cond3A_157 {
      "tpu.region"() ({
        %run_scoped3A_158 = tpu.sem_alloc : memref<!tpu.dma_semaphore, #tpu.memory_space<semaphore_mem>>
        %dma_start3A = arith.constant 0 : i32
        %dma_start3A_159 = arith.constant 0 : i32
        %dma_start3A_160 = tpu.memref_slice %arg5[%arg0, %dma_start3A, %dma_start3A_159] : memref<2x10000x48xf32, #tpu.memory_space<hbm>> -> memref<1x10000x48xf32, #tpu.memory_space<hbm>>
        %dma_start3A_161 = tpu.memref_squeeze %dma_start3A_160 : memref<1x10000x48xf32, #tpu.memory_space<hbm>> -> memref<10000x48xf32, #tpu.memory_space<hbm>>
        %dma_start3A_162 = arith.constant 0 : i32
        %dma_start3A_163 = arith.constant 0 : i32
        %dma_start3A_164 = tpu.memref_slice %arg9[%dma_start3A_162, %dma_start3A_163] : memref<10016x48xf32, #tpu.memory_space<vmem_shared>> -> memref<10000x48xf32, #tpu.memory_space<vmem_shared>>
        tpu.enqueue_dma source(%dma_start3A_164 : memref<10000x48xf32, #tpu.memory_space<vmem_shared>>) target(%dma_start3A_161 : memref<10000x48xf32, #tpu.memory_space<hbm>>) target_semaphore(%run_scoped3A_158 : memref<!tpu.dma_semaphore, #tpu.memory_space<semaphore_mem>>)
        %dma_wait3A_165 = arith.constant 0 : i32
        %dma_wait3A_166 = arith.constant 0 : i32
        %dma_wait3A_167 = tpu.memref_slice %arg5[%arg0, %dma_wait3A_165, %dma_wait3A_166] : memref<2x10000x48xf32, #tpu.memory_space<hbm>> -> memref<1x10000x48xf32, #tpu.memory_space<hbm>>
        %dma_wait3A_168 = tpu.memref_squeeze %dma_wait3A_167 : memref<1x10000x48xf32, #tpu.memory_space<hbm>> -> memref<10000x48xf32, #tpu.memory_space<hbm>>
        %dma_wait3A_169 = arith.constant 0 : i32
        %dma_wait3A_170 = arith.constant 0 : i32
        %dma_wait3A_171 = tpu.memref_slice %arg9[%dma_wait3A_169, %dma_wait3A_170] : memref<10016x48xf32, #tpu.memory_space<vmem_shared>> -> memref<10000x48xf32, #tpu.memory_space<vmem_shared>>
        tpu.wait_dma2 semaphore(%run_scoped3A_158 : memref<!tpu.dma_semaphore, #tpu.memory_space<semaphore_mem>>) src(%dma_wait3A_171 : memref<10000x48xf32, #tpu.memory_space<vmem_shared>>) dst(%dma_wait3A_168 : memref<10000x48xf32, #tpu.memory_space<hbm>>)
        tpu.yield
      }) : () -> ()
    } else {
    }
    return
  }
}

#map = affine_map<(d0, d1) -> (0, 0)>
#map1 = affine_map<(d0, d1) -> (0, 0, 0, 0)>
#map2 = affine_map<(d0, d1) -> (0, 0, 0)>
module attributes {stable_mosaic.version = 14 : i64} {
  func.func @_agg_body(%arg0: i32, %arg1: i32, %arg2: memref<10000x128xf32, #tpu.memory_space<hbm>>, %arg3: memref<2x32x125x80xi32, #tpu.memory_space<hbm>>, %arg4: memref<10016x128xf32, #tpu.memory_space<hbm>>, %arg5: memref<2x10000x128xf32, #tpu.memory_space<hbm>>, %arg6: memref<125x80xi32, #tpu.memory_space<vmem>>, %arg7: memref<125x80xi32, #tpu.memory_space<vmem>>, %arg8: memref<3x80x128xf32, #tpu.memory_space<vmem>>, %arg9: memref<10016x128xf32, #tpu.memory_space<vmem_shared>>, %arg10: memref<!tpu.dma_semaphore, #tpu.memory_space<semaphore_mem>>, %arg11: memref<!tpu.dma_semaphore, #tpu.memory_space<semaphore_mem>>) attributes {dimension_semantics = [#tpu.dimension_semantics<core_parallel>, #tpu.dimension_semantics<subcore_parallel>], iteration_bounds = array<i64: 2, 16>, scalar_prefetch = 0 : i64, scratch_operands = 6 : i64, tpu.core_type = #tpu.core_type<sc_vector_subcore>, window_params = [{transform_indices = #map}, {transform_indices = #map1}, {transform_indices = #map}, {transform_indices = #map2}]} {
    %mul3A = arith.constant 2 : i32
    %mul3A_0 = arith.muli %arg1, %mul3A : i32
    %add3A = arith.addi %mul3A_0, %arg0 : i32
    %eq3A = arith.constant 0 : i32
    %eq3A_1 = arith.cmpi eq, %arg1, %eq3A : i32
    %convert_element_type3A = arith.extui %eq3A_1 : i1 to i32
    %cond3A = arith.constant 0 : i32
    %cond3A_2 = arith.cmpi ne, %convert_element_type3A, %cond3A : i32
    scf.if %cond3A_2 {
      "tpu.region"() ({
        %run_scoped3A_50 = tpu.sem_alloc : memref<!tpu.dma_semaphore, #tpu.memory_space<semaphore_mem>>
        tpu.enqueue_dma source(%arg4 : memref<10016x128xf32, #tpu.memory_space<hbm>>) target(%arg9 : memref<10016x128xf32, #tpu.memory_space<vmem_shared>>) target_semaphore(%run_scoped3A_50 : memref<!tpu.dma_semaphore, #tpu.memory_space<semaphore_mem>>)
        tpu.wait_dma2 semaphore(%run_scoped3A_50 : memref<!tpu.dma_semaphore, #tpu.memory_space<semaphore_mem>>) src(%arg4 : memref<10016x128xf32, #tpu.memory_space<hbm>>) dst(%arg9 : memref<10016x128xf32, #tpu.memory_space<vmem_shared>>)
        tpu.yield
      }) : () -> ()
    } else {
    }
    %run_scoped3A = arith.constant 0 : i32
    "tpu.region"() ({
      %run_scoped3A_50 = tpu.sem_alloc : memref<!tpu.dma_semaphore, #tpu.memory_space<semaphore_mem>>
      %dma_start3A = arith.constant 0 : i32
      %dma_start3A_51 = arith.constant 0 : i32
      %dma_start3A_52 = tpu.memref_slice %arg3[%run_scoped3A, %add3A, %dma_start3A, %dma_start3A_51] : memref<2x32x125x80xi32, #tpu.memory_space<hbm>> -> memref<1x1x125x80xi32, #tpu.memory_space<hbm>>
      %dma_start3A_53 = tpu.memref_squeeze %dma_start3A_52 : memref<1x1x125x80xi32, #tpu.memory_space<hbm>> -> memref<125x80xi32, #tpu.memory_space<hbm>>
      %dma_start3A_54 = arith.constant 0 : i32
      %dma_start3A_55 = arith.constant 0 : i32
      %dma_start3A_56 = tpu.memref_slice %arg3[%run_scoped3A, %add3A, %dma_start3A_54, %dma_start3A_55] : memref<2x32x125x80xi32, #tpu.memory_space<hbm>> -> memref<1x1x125x80xi32, #tpu.memory_space<hbm>>
      %dma_start3A_57 = tpu.memref_squeeze %dma_start3A_56 : memref<1x1x125x80xi32, #tpu.memory_space<hbm>> -> memref<125x80xi32, #tpu.memory_space<hbm>>
      tpu.enqueue_dma source(%dma_start3A_57 : memref<125x80xi32, #tpu.memory_space<hbm>>) target(%arg6 : memref<125x80xi32, #tpu.memory_space<vmem>>) target_semaphore(%run_scoped3A_50 : memref<!tpu.dma_semaphore, #tpu.memory_space<semaphore_mem>>)
      %dma_wait3A_58 = arith.constant 0 : i32
      %dma_wait3A_59 = arith.constant 0 : i32
      %dma_wait3A_60 = tpu.memref_slice %arg3[%run_scoped3A, %add3A, %dma_wait3A_58, %dma_wait3A_59] : memref<2x32x125x80xi32, #tpu.memory_space<hbm>> -> memref<1x1x125x80xi32, #tpu.memory_space<hbm>>
      %dma_wait3A_61 = tpu.memref_squeeze %dma_wait3A_60 : memref<1x1x125x80xi32, #tpu.memory_space<hbm>> -> memref<125x80xi32, #tpu.memory_space<hbm>>
      %dma_wait3A_62 = arith.constant 0 : i32
      %dma_wait3A_63 = arith.constant 0 : i32
      %dma_wait3A_64 = tpu.memref_slice %arg3[%run_scoped3A, %add3A, %dma_wait3A_62, %dma_wait3A_63] : memref<2x32x125x80xi32, #tpu.memory_space<hbm>> -> memref<1x1x125x80xi32, #tpu.memory_space<hbm>>
      %dma_wait3A_65 = tpu.memref_squeeze %dma_wait3A_64 : memref<1x1x125x80xi32, #tpu.memory_space<hbm>> -> memref<125x80xi32, #tpu.memory_space<hbm>>
      tpu.wait_dma2 semaphore(%run_scoped3A_50 : memref<!tpu.dma_semaphore, #tpu.memory_space<semaphore_mem>>) src(%dma_wait3A_65 : memref<125x80xi32, #tpu.memory_space<hbm>>) dst(%arg6 : memref<125x80xi32, #tpu.memory_space<vmem>>)
      tpu.yield
    }) : () -> ()
    %run_scoped3A_3 = arith.constant 1 : i32
    "tpu.region"() ({
      %run_scoped3A_50 = tpu.sem_alloc : memref<!tpu.dma_semaphore, #tpu.memory_space<semaphore_mem>>
      %dma_start3A = arith.constant 0 : i32
      %dma_start3A_51 = arith.constant 0 : i32
      %dma_start3A_52 = tpu.memref_slice %arg3[%run_scoped3A_3, %add3A, %dma_start3A, %dma_start3A_51] : memref<2x32x125x80xi32, #tpu.memory_space<hbm>> -> memref<1x1x125x80xi32, #tpu.memory_space<hbm>>
      %dma_start3A_53 = tpu.memref_squeeze %dma_start3A_52 : memref<1x1x125x80xi32, #tpu.memory_space<hbm>> -> memref<125x80xi32, #tpu.memory_space<hbm>>
      %dma_start3A_54 = arith.constant 0 : i32
      %dma_start3A_55 = arith.constant 0 : i32
      %dma_start3A_56 = tpu.memref_slice %arg3[%run_scoped3A_3, %add3A, %dma_start3A_54, %dma_start3A_55] : memref<2x32x125x80xi32, #tpu.memory_space<hbm>> -> memref<1x1x125x80xi32, #tpu.memory_space<hbm>>
      %dma_start3A_57 = tpu.memref_squeeze %dma_start3A_56 : memref<1x1x125x80xi32, #tpu.memory_space<hbm>> -> memref<125x80xi32, #tpu.memory_space<hbm>>
      tpu.enqueue_dma source(%dma_start3A_57 : memref<125x80xi32, #tpu.memory_space<hbm>>) target(%arg7 : memref<125x80xi32, #tpu.memory_space<vmem>>) target_semaphore(%run_scoped3A_50 : memref<!tpu.dma_semaphore, #tpu.memory_space<semaphore_mem>>)
      %dma_wait3A_58 = arith.constant 0 : i32
      %dma_wait3A_59 = arith.constant 0 : i32
      %dma_wait3A_60 = tpu.memref_slice %arg3[%run_scoped3A_3, %add3A, %dma_wait3A_58, %dma_wait3A_59] : memref<2x32x125x80xi32, #tpu.memory_space<hbm>> -> memref<1x1x125x80xi32, #tpu.memory_space<hbm>>
      %dma_wait3A_61 = tpu.memref_squeeze %dma_wait3A_60 : memref<1x1x125x80xi32, #tpu.memory_space<hbm>> -> memref<125x80xi32, #tpu.memory_space<hbm>>
      %dma_wait3A_62 = arith.constant 0 : i32
      %dma_wait3A_63 = arith.constant 0 : i32
      %dma_wait3A_64 = tpu.memref_slice %arg3[%run_scoped3A_3, %add3A, %dma_wait3A_62, %dma_wait3A_63] : memref<2x32x125x80xi32, #tpu.memory_space<hbm>> -> memref<1x1x125x80xi32, #tpu.memory_space<hbm>>
      %dma_wait3A_65 = tpu.memref_squeeze %dma_wait3A_64 : memref<1x1x125x80xi32, #tpu.memory_space<hbm>> -> memref<125x80xi32, #tpu.memory_space<hbm>>
      tpu.wait_dma2 semaphore(%run_scoped3A_50 : memref<!tpu.dma_semaphore, #tpu.memory_space<semaphore_mem>>) src(%dma_wait3A_65 : memref<125x80xi32, #tpu.memory_space<hbm>>) dst(%arg7 : memref<125x80xi32, #tpu.memory_space<vmem>>)
      tpu.yield
    }) : () -> ()
    %barrier3A = arith.constant 0 : index
    tpu.barrier barrier_id(%barrier3A)
    %scan3A = arith.constant 0 : i32
    %scan3A_4 = arith.constant 0 : i32
    %scan3A_5 = arith.constant 126 : i32
    %scan3A_6 = arith.addi %scan3A_4, %scan3A_5 : i32
    %scan3A_7 = arith.constant 1 : i32
    scf.for %scan3A_50 = %scan3A_4 to %scan3A_6 step %scan3A_7  : i32 {
      %rem3A = arith.constant 3 : i32
      %rem3A_51 = arith.remsi %scan3A_50, %rem3A : i32
      %lt3A = arith.constant 125 : i32
      %lt3A_52 = arith.cmpi slt, %scan3A_50, %lt3A : i32
      %convert_element_type3A_53 = arith.extui %lt3A_52 : i1 to i32
      %cond3A_54 = arith.constant 0 : i32
      %cond3A_55 = arith.cmpi ne, %convert_element_type3A_53, %cond3A_54 : i32
      scf.if %cond3A_55 {
        %ge3A_60 = arith.constant 3 : i32
        %ge3A_61 = arith.cmpi sge, %scan3A_50, %ge3A_60 : i32
        %convert_element_type3A_62 = arith.extui %ge3A_61 : i1 to i32
        %cond3A_63 = arith.constant 0 : i32
        %cond3A_64 = arith.cmpi ne, %convert_element_type3A_62, %cond3A_63 : i32
        scf.if %cond3A_64 {
          %dma_wait3A_74 = arith.constant 0 : i32
          %dma_wait3A_75 = arith.constant 0 : i32
          %dma_wait3A_76 = arith.constant 0 : i32
          %dma_wait3A_77 = tpu.memref_slice %arg8[%rem3A_51, %dma_wait3A_75, %dma_wait3A_76] : memref<3x80x128xf32, #tpu.memory_space<vmem>> -> memref<1x80x128xf32, #tpu.memory_space<vmem>>
          %dma_wait3A_78 = tpu.memref_squeeze %dma_wait3A_77 : memref<1x80x128xf32, #tpu.memory_space<vmem>> -> memref<80x128xf32, #tpu.memory_space<vmem>>
          %dma_wait3A_79 = arith.constant 0 : i32
          %dma_wait3A_80 = tpu.memref_slice %arg7[%dma_wait3A_74, %dma_wait3A_79] : memref<125x80xi32, #tpu.memory_space<vmem>> -> memref<1x80xi32, #tpu.memory_space<vmem>>
          %dma_wait3A_81 = tpu.memref_squeeze %dma_wait3A_80 : memref<1x80xi32, #tpu.memory_space<vmem>> -> memref<80xi32, #tpu.memory_space<vmem>>
          %dma_wait3A_82 = arith.constant 0 : i32
          %dma_wait3A_83 = arith.constant 0 : i32
          %dma_wait3A_84 = tpu.memref_slice %arg9[%dma_wait3A_82, %dma_wait3A_83] : memref<10016x128xf32, #tpu.memory_space<vmem_shared>> -> memref<10016x128xf32, #tpu.memory_space<vmem_shared>>
          tpu.wait_indirect_dma semaphore(%arg11 : memref<!tpu.dma_semaphore, #tpu.memory_space<semaphore_mem>>) src(%dma_wait3A_78 : memref<80x128xf32, #tpu.memory_space<vmem>>) dst(%dma_wait3A_84 : memref<10016x128xf32, #tpu.memory_space<vmem_shared>>)
        } else {
        }
        %dma_start3A = arith.constant 0 : i32
        %dma_start3A_65 = arith.constant 0 : i32
        %dma_start3A_66 = tpu.memref_slice %arg8[%rem3A_51, %dma_start3A, %dma_start3A_65] : memref<3x80x128xf32, #tpu.memory_space<vmem>> -> memref<1x80x128xf32, #tpu.memory_space<vmem>>
        %dma_start3A_67 = tpu.memref_squeeze %dma_start3A_66 : memref<1x80x128xf32, #tpu.memory_space<vmem>> -> memref<80x128xf32, #tpu.memory_space<vmem>>
        %dma_start3A_68 = arith.constant 0 : i32
        %dma_start3A_69 = tpu.memref_slice %arg6[%scan3A_50, %dma_start3A_68] : memref<125x80xi32, #tpu.memory_space<vmem>> -> memref<1x80xi32, #tpu.memory_space<vmem>>
        %dma_start3A_70 = tpu.memref_squeeze %dma_start3A_69 : memref<1x80xi32, #tpu.memory_space<vmem>> -> memref<80xi32, #tpu.memory_space<vmem>>
        %dma_start3A_71 = arith.constant 0 : i32
        %dma_start3A_72 = arith.constant 0 : i32
        %dma_start3A_73 = tpu.memref_slice %arg2[%dma_start3A_71, %dma_start3A_72] : memref<10000x128xf32, #tpu.memory_space<hbm>> -> memref<10000x128xf32, #tpu.memory_space<hbm>>
        tpu.enqueue_indirect_dma source(%dma_start3A_73 : memref<10000x128xf32, #tpu.memory_space<hbm>>) target(%dma_start3A_67 : memref<80x128xf32, #tpu.memory_space<vmem>>) offsets(%dma_start3A_70 : memref<80xi32, #tpu.memory_space<vmem>>) semaphore(%arg10 : memref<!tpu.dma_semaphore, #tpu.memory_space<semaphore_mem>>)
      } else {
      }
      %ge3A = arith.constant 1 : i32
      %ge3A_56 = arith.cmpi sge, %scan3A_50, %ge3A : i32
      %convert_element_type3A_57 = arith.extui %ge3A_56 : i1 to i32
      %cond3A_58 = arith.constant 0 : i32
      %cond3A_59 = arith.cmpi ne, %convert_element_type3A_57, %cond3A_58 : i32
      scf.if %cond3A_59 {
        %sub3A = arith.constant 1 : i32
        %sub3A_60 = arith.subi %scan3A_50, %sub3A : i32
        %rem3A_61 = arith.constant 3 : i32
        %rem3A_62 = arith.remsi %sub3A_60, %rem3A_61 : i32
        %dma_wait3A_63 = arith.constant 0 : i32
        %dma_wait3A_64 = arith.constant 0 : i32
        %dma_wait3A_65 = arith.constant 0 : i32
        %dma_wait3A_66 = tpu.memref_slice %arg8[%rem3A_62, %dma_wait3A_64, %dma_wait3A_65] : memref<3x80x128xf32, #tpu.memory_space<vmem>> -> memref<1x80x128xf32, #tpu.memory_space<vmem>>
        %dma_wait3A_67 = tpu.memref_squeeze %dma_wait3A_66 : memref<1x80x128xf32, #tpu.memory_space<vmem>> -> memref<80x128xf32, #tpu.memory_space<vmem>>
        %dma_wait3A_68 = arith.constant 0 : i32
        %dma_wait3A_69 = tpu.memref_slice %arg6[%dma_wait3A_63, %dma_wait3A_68] : memref<125x80xi32, #tpu.memory_space<vmem>> -> memref<1x80xi32, #tpu.memory_space<vmem>>
        %dma_wait3A_70 = tpu.memref_squeeze %dma_wait3A_69 : memref<1x80xi32, #tpu.memory_space<vmem>> -> memref<80xi32, #tpu.memory_space<vmem>>
        %dma_wait3A_71 = arith.constant 0 : i32
        %dma_wait3A_72 = arith.constant 0 : i32
        %dma_wait3A_73 = tpu.memref_slice %arg2[%dma_wait3A_71, %dma_wait3A_72] : memref<10000x128xf32, #tpu.memory_space<hbm>> -> memref<10000x128xf32, #tpu.memory_space<hbm>>
        tpu.wait_indirect_dma semaphore(%arg10 : memref<!tpu.dma_semaphore, #tpu.memory_space<semaphore_mem>>) src(%dma_wait3A_73 : memref<10000x128xf32, #tpu.memory_space<hbm>>) dst(%dma_wait3A_67 : memref<80x128xf32, #tpu.memory_space<vmem>>)
        %sub3A_74 = arith.constant 1 : i32
        %sub3A_75 = arith.subi %scan3A_50, %sub3A_74 : i32
        %dma_start3A = arith.constant 0 : i32
        %dma_start3A_76 = arith.constant 0 : i32
        %dma_start3A_77 = tpu.memref_slice %arg8[%rem3A_62, %dma_start3A, %dma_start3A_76] : memref<3x80x128xf32, #tpu.memory_space<vmem>> -> memref<1x80x128xf32, #tpu.memory_space<vmem>>
        %dma_start3A_78 = tpu.memref_squeeze %dma_start3A_77 : memref<1x80x128xf32, #tpu.memory_space<vmem>> -> memref<80x128xf32, #tpu.memory_space<vmem>>
        %dma_start3A_79 = arith.constant 0 : i32
        %dma_start3A_80 = tpu.memref_slice %arg7[%sub3A_75, %dma_start3A_79] : memref<125x80xi32, #tpu.memory_space<vmem>> -> memref<1x80xi32, #tpu.memory_space<vmem>>
        %dma_start3A_81 = tpu.memref_squeeze %dma_start3A_80 : memref<1x80xi32, #tpu.memory_space<vmem>> -> memref<80xi32, #tpu.memory_space<vmem>>
        %dma_start3A_82 = arith.constant 0 : i32
        %dma_start3A_83 = arith.constant 0 : i32
        %dma_start3A_84 = tpu.memref_slice %arg9[%dma_start3A_82, %dma_start3A_83] : memref<10016x128xf32, #tpu.memory_space<vmem_shared>> -> memref<10016x128xf32, #tpu.memory_space<vmem_shared>>
        tpu.enqueue_indirect_dma source(%dma_start3A_78 : memref<80x128xf32, #tpu.memory_space<vmem>>) target(%dma_start3A_84 : memref<10016x128xf32, #tpu.memory_space<vmem_shared>>) offsets(%dma_start3A_81 : memref<80xi32, #tpu.memory_space<vmem>>) semaphore(%arg11 : memref<!tpu.dma_semaphore, #tpu.memory_space<semaphore_mem>>) {add = true}
      } else {
      }
    }
    %scan3A_8 = arith.constant 126 : i32
    %dma_wait3A = arith.constant 0 : i32
    %dma_wait3A_9 = arith.constant 0 : i32
    %dma_wait3A_10 = arith.constant 0 : i32
    %dma_wait3A_11 = arith.constant 0 : i32
    %dma_wait3A_12 = tpu.memref_slice %arg8[%dma_wait3A, %dma_wait3A_10, %dma_wait3A_11] : memref<3x80x128xf32, #tpu.memory_space<vmem>> -> memref<1x80x128xf32, #tpu.memory_space<vmem>>
    %dma_wait3A_13 = tpu.memref_squeeze %dma_wait3A_12 : memref<1x80x128xf32, #tpu.memory_space<vmem>> -> memref<80x128xf32, #tpu.memory_space<vmem>>
    %dma_wait3A_14 = arith.constant 0 : i32
    %dma_wait3A_15 = tpu.memref_slice %arg7[%dma_wait3A_9, %dma_wait3A_14] : memref<125x80xi32, #tpu.memory_space<vmem>> -> memref<1x80xi32, #tpu.memory_space<vmem>>
    %dma_wait3A_16 = tpu.memref_squeeze %dma_wait3A_15 : memref<1x80xi32, #tpu.memory_space<vmem>> -> memref<80xi32, #tpu.memory_space<vmem>>
    %dma_wait3A_17 = arith.constant 0 : i32
    %dma_wait3A_18 = arith.constant 0 : i32
    %dma_wait3A_19 = tpu.memref_slice %arg9[%dma_wait3A_17, %dma_wait3A_18] : memref<10016x128xf32, #tpu.memory_space<vmem_shared>> -> memref<10016x128xf32, #tpu.memory_space<vmem_shared>>
    tpu.wait_indirect_dma semaphore(%arg11 : memref<!tpu.dma_semaphore, #tpu.memory_space<semaphore_mem>>) src(%dma_wait3A_13 : memref<80x128xf32, #tpu.memory_space<vmem>>) dst(%dma_wait3A_19 : memref<10016x128xf32, #tpu.memory_space<vmem_shared>>)
    %dma_wait3A_20 = arith.constant 0 : i32
    %dma_wait3A_21 = arith.constant 0 : i32
    %dma_wait3A_22 = arith.constant 0 : i32
    %dma_wait3A_23 = arith.constant 0 : i32
    %dma_wait3A_24 = tpu.memref_slice %arg8[%dma_wait3A_20, %dma_wait3A_22, %dma_wait3A_23] : memref<3x80x128xf32, #tpu.memory_space<vmem>> -> memref<1x80x128xf32, #tpu.memory_space<vmem>>
    %dma_wait3A_25 = tpu.memref_squeeze %dma_wait3A_24 : memref<1x80x128xf32, #tpu.memory_space<vmem>> -> memref<80x128xf32, #tpu.memory_space<vmem>>
    %dma_wait3A_26 = arith.constant 0 : i32
    %dma_wait3A_27 = tpu.memref_slice %arg7[%dma_wait3A_21, %dma_wait3A_26] : memref<125x80xi32, #tpu.memory_space<vmem>> -> memref<1x80xi32, #tpu.memory_space<vmem>>
    %dma_wait3A_28 = tpu.memref_squeeze %dma_wait3A_27 : memref<1x80xi32, #tpu.memory_space<vmem>> -> memref<80xi32, #tpu.memory_space<vmem>>
    %dma_wait3A_29 = arith.constant 0 : i32
    %dma_wait3A_30 = arith.constant 0 : i32
    %dma_wait3A_31 = tpu.memref_slice %arg9[%dma_wait3A_29, %dma_wait3A_30] : memref<10016x128xf32, #tpu.memory_space<vmem_shared>> -> memref<10016x128xf32, #tpu.memory_space<vmem_shared>>
    tpu.wait_indirect_dma semaphore(%arg11 : memref<!tpu.dma_semaphore, #tpu.memory_space<semaphore_mem>>) src(%dma_wait3A_25 : memref<80x128xf32, #tpu.memory_space<vmem>>) dst(%dma_wait3A_31 : memref<10016x128xf32, #tpu.memory_space<vmem_shared>>)
    %dma_wait3A_32 = arith.constant 0 : i32
    %dma_wait3A_33 = arith.constant 0 : i32
    %dma_wait3A_34 = arith.constant 0 : i32
    %dma_wait3A_35 = arith.constant 0 : i32
    %dma_wait3A_36 = tpu.memref_slice %arg8[%dma_wait3A_32, %dma_wait3A_34, %dma_wait3A_35] : memref<3x80x128xf32, #tpu.memory_space<vmem>> -> memref<1x80x128xf32, #tpu.memory_space<vmem>>
    %dma_wait3A_37 = tpu.memref_squeeze %dma_wait3A_36 : memref<1x80x128xf32, #tpu.memory_space<vmem>> -> memref<80x128xf32, #tpu.memory_space<vmem>>
    %dma_wait3A_38 = arith.constant 0 : i32
    %dma_wait3A_39 = tpu.memref_slice %arg7[%dma_wait3A_33, %dma_wait3A_38] : memref<125x80xi32, #tpu.memory_space<vmem>> -> memref<1x80xi32, #tpu.memory_space<vmem>>
    %dma_wait3A_40 = tpu.memref_squeeze %dma_wait3A_39 : memref<1x80xi32, #tpu.memory_space<vmem>> -> memref<80xi32, #tpu.memory_space<vmem>>
    %dma_wait3A_41 = arith.constant 0 : i32
    %dma_wait3A_42 = arith.constant 0 : i32
    %dma_wait3A_43 = tpu.memref_slice %arg9[%dma_wait3A_41, %dma_wait3A_42] : memref<10016x128xf32, #tpu.memory_space<vmem_shared>> -> memref<10016x128xf32, #tpu.memory_space<vmem_shared>>
    tpu.wait_indirect_dma semaphore(%arg11 : memref<!tpu.dma_semaphore, #tpu.memory_space<semaphore_mem>>) src(%dma_wait3A_37 : memref<80x128xf32, #tpu.memory_space<vmem>>) dst(%dma_wait3A_43 : memref<10016x128xf32, #tpu.memory_space<vmem_shared>>)
    %barrier3A_44 = arith.constant 0 : index
    tpu.barrier barrier_id(%barrier3A_44)
    %eq3A_45 = arith.constant 0 : i32
    %eq3A_46 = arith.cmpi eq, %arg1, %eq3A_45 : i32
    %convert_element_type3A_47 = arith.extui %eq3A_46 : i1 to i32
    %cond3A_48 = arith.constant 0 : i32
    %cond3A_49 = arith.cmpi ne, %convert_element_type3A_47, %cond3A_48 : i32
    scf.if %cond3A_49 {
      "tpu.region"() ({
        %run_scoped3A_50 = tpu.sem_alloc : memref<!tpu.dma_semaphore, #tpu.memory_space<semaphore_mem>>
        %dma_start3A = arith.constant 0 : i32
        %dma_start3A_51 = arith.constant 0 : i32
        %dma_start3A_52 = tpu.memref_slice %arg5[%arg0, %dma_start3A, %dma_start3A_51] : memref<2x10000x128xf32, #tpu.memory_space<hbm>> -> memref<1x10000x128xf32, #tpu.memory_space<hbm>>
        %dma_start3A_53 = tpu.memref_squeeze %dma_start3A_52 : memref<1x10000x128xf32, #tpu.memory_space<hbm>> -> memref<10000x128xf32, #tpu.memory_space<hbm>>
        %dma_start3A_54 = arith.constant 0 : i32
        %dma_start3A_55 = arith.constant 0 : i32
        %dma_start3A_56 = tpu.memref_slice %arg9[%dma_start3A_54, %dma_start3A_55] : memref<10016x128xf32, #tpu.memory_space<vmem_shared>> -> memref<10000x128xf32, #tpu.memory_space<vmem_shared>>
        tpu.enqueue_dma source(%dma_start3A_56 : memref<10000x128xf32, #tpu.memory_space<vmem_shared>>) target(%dma_start3A_53 : memref<10000x128xf32, #tpu.memory_space<hbm>>) target_semaphore(%run_scoped3A_50 : memref<!tpu.dma_semaphore, #tpu.memory_space<semaphore_mem>>)
        %dma_wait3A_57 = arith.constant 0 : i32
        %dma_wait3A_58 = arith.constant 0 : i32
        %dma_wait3A_59 = tpu.memref_slice %arg5[%arg0, %dma_wait3A_57, %dma_wait3A_58] : memref<2x10000x128xf32, #tpu.memory_space<hbm>> -> memref<1x10000x128xf32, #tpu.memory_space<hbm>>
        %dma_wait3A_60 = tpu.memref_squeeze %dma_wait3A_59 : memref<1x10000x128xf32, #tpu.memory_space<hbm>> -> memref<10000x128xf32, #tpu.memory_space<hbm>>
        %dma_wait3A_61 = arith.constant 0 : i32
        %dma_wait3A_62 = arith.constant 0 : i32
        %dma_wait3A_63 = tpu.memref_slice %arg9[%dma_wait3A_61, %dma_wait3A_62] : memref<10016x128xf32, #tpu.memory_space<vmem_shared>> -> memref<10000x128xf32, #tpu.memory_space<vmem_shared>>
        tpu.wait_dma2 semaphore(%run_scoped3A_50 : memref<!tpu.dma_semaphore, #tpu.memory_space<semaphore_mem>>) src(%dma_wait3A_63 : memref<10000x128xf32, #tpu.memory_space<vmem_shared>>) dst(%dma_wait3A_60 : memref<10000x128xf32, #tpu.memory_space<hbm>>)
        tpu.yield
      }) : () -> ()
    } else {
    }
    return
  }
}

module attributes {stable_mosaic.version = 14 : i64} {
  func.func @_scale_body(%arg0: memref<2x10000x16xf32, #tpu.memory_space<vmem>>, %arg1: memref<10000x128xf32, #tpu.memory_space<vmem>>, %arg2: memref<10000x16xf32, #tpu.memory_space<vmem>>, %arg3: memref<10000x128xf32, #tpu.memory_space<vmem>>) attributes {dimension_semantics = [], scalar_prefetch = 0 : i64, scratch_operands = 0 : i64, tpu.core_type = #tpu.core_type<tc>} {
    %get3A = arith.constant 0 : index
    %get3A_0 = arith.constant 0 : index
    %get3A_1 = arith.constant 0 : index
    %get3A_2 = vector.load %arg0[%get3A, %get3A_0, %get3A_1] : memref<2x10000x16xf32, #tpu.memory_space<vmem>>, vector<1x10000x1xf32>
    %get3A_3 = vector.shape_cast %get3A_2 : vector<1x10000x1xf32> to vector<10000x1xf32>
    %get3A_4 = arith.constant 1 : index
    %get3A_5 = arith.constant 0 : index
    %get3A_6 = arith.constant 0 : index
    %get3A_7 = vector.load %arg0[%get3A_4, %get3A_5, %get3A_6] : memref<2x10000x16xf32, #tpu.memory_space<vmem>>, vector<1x10000x1xf32>
    %get3A_8 = vector.shape_cast %get3A_7 : vector<1x10000x1xf32> to vector<10000x1xf32>
    %add3A = arith.addf %get3A_3, %get3A_8 : vector<10000x1xf32>
    %add3A_9 = arith.constant 1.000000e+00 : f32
    %add3A_10 = vector.broadcast %add3A_9 : f32 to vector<10000x1xf32>
    %add3A_11 = arith.addf %add3A, %add3A_10 : vector<10000x1xf32>
    %rsqrt3A = math.rsqrt %add3A_11 : vector<10000x1xf32>
    %broadcast_in_dim3A = vector.shape_cast %rsqrt3A : vector<10000x1xf32> to vector<10000x1xf32>
    %broadcast_in_dim3A_12 = vector.broadcast %broadcast_in_dim3A : vector<10000x1xf32> to vector<10000x16xf32>
    %swap3A = arith.constant 0 : index
    %swap3A_13 = arith.constant 0 : index
    %swap3A_14 = vector.load %arg2[%swap3A, %swap3A_13] : memref<10000x16xf32, #tpu.memory_space<vmem>>, vector<10000x16xf32>
    tpu.vector_store %arg2[%swap3A, %swap3A_13], %broadcast_in_dim3A_12 {strides = array<i32>} : memref<10000x16xf32, #tpu.memory_space<vmem>>, vector<10000x16xf32>,
    %get3A_15 = arith.constant 0 : index
    %get3A_16 = arith.constant 0 : index
    %get3A_17 = vector.load %arg1[%get3A_15, %get3A_16] : memref<10000x128xf32, #tpu.memory_space<vmem>>, vector<10000x128xf32>
    %mul3A = vector.broadcast %rsqrt3A : vector<10000x1xf32> to vector<10000x128xf32>
    %mul3A_18 = arith.mulf %get3A_17, %mul3A : vector<10000x128xf32>
    %swap3A_19 = arith.constant 0 : index
    %swap3A_20 = arith.constant 0 : index
    %swap3A_21 = vector.load %arg3[%swap3A_19, %swap3A_20] : memref<10000x128xf32, #tpu.memory_space<vmem>>, vector<10000x128xf32>
    tpu.vector_store %arg3[%swap3A_19, %swap3A_20], %mul3A_18 {strides = array<i32>} : memref<10000x128xf32, #tpu.memory_space<vmem>>, vector<10000x128xf32>,
    return
  }
}

module attributes {stable_mosaic.version = 14 : i64} {
  func.func @_mlp_body(%arg0: memref<2x10000x128xf32, #tpu.memory_space<vmem>>, %arg1: memref<10000x128xf32, #tpu.memory_space<vmem>>, %arg2: memref<10000x16xf32, #tpu.memory_space<vmem>>, %arg3: memref<128x256xf32, #tpu.memory_space<vmem>>, %arg4: memref<1x256xf32, #tpu.memory_space<vmem>>, %arg5: memref<256x48xf32, #tpu.memory_space<vmem>>, %arg6: memref<10000x48xf32, #tpu.memory_space<vmem>>) attributes {dimension_semantics = [], scalar_prefetch = 0 : i64, scratch_operands = 0 : i64, tpu.core_type = #tpu.core_type<tc>} {
    %get3A = arith.constant 0 : index
    %get3A_0 = arith.constant 0 : index
    %get3A_1 = vector.load %arg2[%get3A, %get3A_0] : memref<10000x16xf32, #tpu.memory_space<vmem>>, vector<10000x1xf32>
    %get3A_2 = arith.constant 0 : index
    %get3A_3 = arith.constant 0 : index
    %get3A_4 = arith.constant 0 : index
    %get3A_5 = vector.load %arg0[%get3A_2, %get3A_3, %get3A_4] : memref<2x10000x128xf32, #tpu.memory_space<vmem>>, vector<1x10000x128xf32>
    %get3A_6 = vector.shape_cast %get3A_5 : vector<1x10000x128xf32> to vector<10000x128xf32>
    %get3A_7 = arith.constant 1 : index
    %get3A_8 = arith.constant 0 : index
    %get3A_9 = arith.constant 0 : index
    %get3A_10 = vector.load %arg0[%get3A_7, %get3A_8, %get3A_9] : memref<2x10000x128xf32, #tpu.memory_space<vmem>>, vector<1x10000x128xf32>
    %get3A_11 = vector.shape_cast %get3A_10 : vector<1x10000x128xf32> to vector<10000x128xf32>
    %add3A = arith.addf %get3A_6, %get3A_11 : vector<10000x128xf32>
    %get3A_12 = arith.constant 0 : index
    %get3A_13 = arith.constant 0 : index
    %get3A_14 = vector.load %arg1[%get3A_12, %get3A_13] : memref<10000x128xf32, #tpu.memory_space<vmem>>, vector<10000x128xf32>
    %add3A_15 = arith.addf %add3A, %get3A_14 : vector<10000x128xf32>
    %mul3A = vector.broadcast %get3A_1 : vector<10000x1xf32> to vector<10000x128xf32>
    %mul3A_16 = arith.mulf %mul3A, %add3A_15 : vector<10000x128xf32>
    %get3A_17 = arith.constant 0 : index
    %get3A_18 = arith.constant 0 : index
    %get3A_19 = vector.load %arg3[%get3A_17, %get3A_18] : memref<128x256xf32, #tpu.memory_space<vmem>>, vector<128x256xf32>
    %dot_general3A = arith.constant dense<0.000000e+00> : vector<10000x256xf32>
    %dot_general3A_20 = tpu.matmul %mul3A_16, %get3A_19, %dot_general3A {dimension_numbers = #tpu.dot_dimension_numbers<[1], [0], [0], [1], [0, 0, 1, 1], [], []>, transpose_lhs_hint = false} : vector<10000x128xf32>, vector<128x256xf32>, vector<10000x256xf32> -> vector<10000x256xf32>
    %get3A_21 = arith.constant 0 : index
    %get3A_22 = arith.constant 0 : index
    %get3A_23 = vector.load %arg4[%get3A_21, %get3A_22] : memref<1x256xf32, #tpu.memory_space<vmem>>, vector<1x256xf32>
    %add3A_24 = vector.broadcast %get3A_23 : vector<1x256xf32> to vector<10000x256xf32>
    %add3A_25 = arith.addf %dot_general3A_20, %add3A_24 : vector<10000x256xf32>
    %max3A = arith.constant 0.000000e+00 : f32
    %max3A_26 = vector.broadcast %max3A : f32 to vector<10000x256xf32>
    %max3A_27 = arith.maximumf %add3A_25, %max3A_26 : vector<10000x256xf32>
    %get3A_28 = arith.constant 0 : index
    %get3A_29 = arith.constant 0 : index
    %get3A_30 = vector.load %arg5[%get3A_28, %get3A_29] : memref<256x48xf32, #tpu.memory_space<vmem>>, vector<256x48xf32>
    %dot_general3A_31 = arith.constant dense<0.000000e+00> : vector<10000x48xf32>
    %dot_general3A_32 = tpu.matmul %max3A_27, %get3A_30, %dot_general3A_31 {dimension_numbers = #tpu.dot_dimension_numbers<[1], [0], [0], [1], [0, 0, 1, 1], [], []>, transpose_lhs_hint = false} : vector<10000x256xf32>, vector<256x48xf32>, vector<10000x48xf32> -> vector<10000x48xf32>
    %mul3A_33 = vector.broadcast %get3A_1 : vector<10000x1xf32> to vector<10000x48xf32>
    %mul3A_34 = arith.mulf %mul3A_33, %dot_general3A_32 : vector<10000x48xf32>
    %swap3A = arith.constant 0 : index
    %swap3A_35 = arith.constant 0 : index
    %swap3A_36 = vector.load %arg6[%swap3A, %swap3A_35] : memref<10000x48xf32, #tpu.memory_space<vmem>>, vector<10000x48xf32>
    tpu.vector_store %arg6[%swap3A, %swap3A_35], %mul3A_34 {strides = array<i32>} : memref<10000x48xf32, #tpu.memory_space<vmem>>, vector<10000x48xf32>,
    return
  }
}

module attributes {stable_mosaic.version = 14 : i64} {
  func.func @_loss_body(%arg0: memref<2x10000x48xf32, #tpu.memory_space<vmem>>, %arg1: memref<10000x48xf32, #tpu.memory_space<vmem>>, %arg2: memref<10000x16xf32, #tpu.memory_space<vmem>>, %arg3: memref<1x48xf32, #tpu.memory_space<vmem>>, %arg4: memref<10000x1xi32, #tpu.memory_space<vmem>>, %arg5: memref<10000x1xf32, #tpu.memory_space<vmem>>, %arg6: memref<1x48xf32, #tpu.memory_space<vmem>>, %arg7: memref<1x1xf32, #tpu.memory_space<vmem>>) attributes {dimension_semantics = [], scalar_prefetch = 0 : i64, scratch_operands = 0 : i64, tpu.core_type = #tpu.core_type<tc>} {
    %get3A = arith.constant 0 : index
    %get3A_0 = arith.constant 0 : index
    %get3A_1 = vector.load %arg2[%get3A, %get3A_0] : memref<10000x16xf32, #tpu.memory_space<vmem>>, vector<10000x1xf32>
    %get3A_2 = arith.constant 0 : index
    %get3A_3 = arith.constant 0 : index
    %get3A_4 = arith.constant 0 : index
    %get3A_5 = vector.load %arg0[%get3A_2, %get3A_3, %get3A_4] : memref<2x10000x48xf32, #tpu.memory_space<vmem>>, vector<1x10000x48xf32>
    %get3A_6 = vector.shape_cast %get3A_5 : vector<1x10000x48xf32> to vector<10000x48xf32>
    %get3A_7 = arith.constant 1 : index
    %get3A_8 = arith.constant 0 : index
    %get3A_9 = arith.constant 0 : index
    %get3A_10 = vector.load %arg0[%get3A_7, %get3A_8, %get3A_9] : memref<2x10000x48xf32, #tpu.memory_space<vmem>>, vector<1x10000x48xf32>
    %get3A_11 = vector.shape_cast %get3A_10 : vector<1x10000x48xf32> to vector<10000x48xf32>
    %add3A = arith.addf %get3A_6, %get3A_11 : vector<10000x48xf32>
    %get3A_12 = arith.constant 0 : index
    %get3A_13 = arith.constant 0 : index
    %get3A_14 = vector.load %arg1[%get3A_12, %get3A_13] : memref<10000x48xf32, #tpu.memory_space<vmem>>, vector<10000x48xf32>
    %add3A_15 = arith.addf %add3A, %get3A_14 : vector<10000x48xf32>
    %mul3A = vector.broadcast %get3A_1 : vector<10000x1xf32> to vector<10000x48xf32>
    %mul3A_16 = arith.mulf %mul3A, %add3A_15 : vector<10000x48xf32>
    %get3A_17 = arith.constant 0 : index
    %get3A_18 = arith.constant 0 : index
    %get3A_19 = vector.load %arg3[%get3A_17, %get3A_18] : memref<1x48xf32, #tpu.memory_space<vmem>>, vector<1x48xf32>
    %add3A_20 = vector.broadcast %get3A_19 : vector<1x48xf32> to vector<10000x48xf32>
    %add3A_21 = arith.addf %mul3A_16, %add3A_20 : vector<10000x48xf32>
    %iota3A = tpu.iota {dimensions = array<i32: 1>} : vector<10000x48xi32>
    %lt3A = arith.constant 40 : i32
    %lt3A_22 = vector.broadcast %lt3A : i32 to vector<10000x48xi32>
    %lt3A_23 = arith.cmpi slt, %iota3A, %lt3A_22 : vector<10000x48xi32>
    %jit3A = arith.constant -1.000000e+30 : f32
    %broadcast_in_dim3A = vector.broadcast %jit3A : f32 to vector<10000x48xf32>
    %select_n3A = arith.select %lt3A_23, %add3A_21, %broadcast_in_dim3A : vector<10000x48xi1>, vector<10000x48xf32>
    %reduce_max3A = arith.constant dense<0xFF800000> : vector<10000xf32>
    %reduce_max3A_24 = vector.multi_reduction <maximumf>, %select_n3A, %reduce_max3A [1] : vector<10000x48xf32> to vector<10000xf32>
    %broadcast_in_dim3A_25 = vector.shape_cast %reduce_max3A_24 : vector<10000xf32> to vector<10000x1xf32>
    %sub3A = vector.broadcast %broadcast_in_dim3A_25 : vector<10000x1xf32> to vector<10000x48xf32>
    %sub3A_26 = arith.subf %add3A_21, %sub3A : vector<10000x48xf32>
    %exp3A = math.exp %sub3A_26 : vector<10000x48xf32>
    %jit3A_27 = arith.constant 0.000000e+00 : f32
    %broadcast_in_dim3A_28 = vector.broadcast %jit3A_27 : f32 to vector<10000x48xf32>
    %select_n3A_29 = arith.select %lt3A_23, %exp3A, %broadcast_in_dim3A_28 : vector<10000x48xi1>, vector<10000x48xf32>
    %reduce_sum3A = arith.constant dense<0.000000e+00> : vector<10000xf32>
    %reduce_sum3A_30 = vector.multi_reduction <add>, %select_n3A_29, %reduce_sum3A [1] : vector<10000x48xf32> to vector<10000xf32>
    %broadcast_in_dim3A_31 = vector.shape_cast %reduce_sum3A_30 : vector<10000xf32> to vector<10000x1xf32>
    %log3A = math.log %broadcast_in_dim3A_31 : vector<10000x1xf32>
    %add3A_32 = arith.addf %log3A, %broadcast_in_dim3A_25 : vector<10000x1xf32>
    %get3A_33 = arith.constant 0 : index
    %get3A_34 = arith.constant 0 : index
    %get3A_35 = vector.load %arg4[%get3A_33, %get3A_34] : memref<10000x1xi32, #tpu.memory_space<vmem>>, vector<10000x1xi32>
    %eq3A = vector.broadcast %get3A_35 : vector<10000x1xi32> to vector<10000x48xi32>
    %eq3A_36 = arith.cmpi eq, %iota3A, %eq3A : vector<10000x48xi32>
    %jit3A_37 = arith.constant 0.000000e+00 : f32
    %broadcast_in_dim3A_38 = vector.broadcast %jit3A_37 : f32 to vector<10000x48xf32>
    %select_n3A_39 = arith.select %eq3A_36, %add3A_21, %broadcast_in_dim3A_38 : vector<10000x48xi1>, vector<10000x48xf32>
    %reduce_sum3A_40 = arith.constant dense<0.000000e+00> : vector<10000xf32>
    %reduce_sum3A_41 = vector.multi_reduction <add>, %select_n3A_39, %reduce_sum3A_40 [1] : vector<10000x48xf32> to vector<10000xf32>
    %broadcast_in_dim3A_42 = vector.shape_cast %reduce_sum3A_41 : vector<10000xf32> to vector<10000x1xf32>
    %get3A_43 = arith.constant 0 : index
    %get3A_44 = arith.constant 0 : index
    %get3A_45 = vector.load %arg6[%get3A_43, %get3A_44] : memref<1x48xf32, #tpu.memory_space<vmem>>, vector<1x48xf32>
    %jit3A_46 = arith.constant 0.000000e+00 : f32
    %broadcast_in_dim3A_47 = vector.shape_cast %get3A_45 : vector<1x48xf32> to vector<1x48xf32>
    %broadcast_in_dim3A_48 = vector.broadcast %broadcast_in_dim3A_47 : vector<1x48xf32> to vector<10000x48xf32>
    %broadcast_in_dim3A_49 = vector.broadcast %jit3A_46 : f32 to vector<10000x48xf32>
    %select_n3A_50 = arith.select %eq3A_36, %broadcast_in_dim3A_48, %broadcast_in_dim3A_49 : vector<10000x48xi1>, vector<10000x48xf32>
    %reduce_sum3A_51 = arith.constant dense<0.000000e+00> : vector<10000xf32>
    %reduce_sum3A_52 = vector.multi_reduction <add>, %select_n3A_50, %reduce_sum3A_51 [1] : vector<10000x48xf32> to vector<10000xf32>
    %broadcast_in_dim3A_53 = vector.shape_cast %reduce_sum3A_52 : vector<10000xf32> to vector<10000x1xf32>
    %sub3A_54 = arith.subf %add3A_32, %broadcast_in_dim3A_42 : vector<10000x1xf32>
    %get3A_55 = arith.constant 0 : index
    %get3A_56 = arith.constant 0 : index
    %get3A_57 = vector.load %arg5[%get3A_55, %get3A_56] : memref<10000x1xf32, #tpu.memory_space<vmem>>, vector<10000x1xf32>
    %mul3A_58 = arith.mulf %broadcast_in_dim3A_53, %get3A_57 : vector<10000x1xf32>
    %mul3A_59 = arith.mulf %sub3A_54, %mul3A_58 : vector<10000x1xf32>
    %reduce_sum3A_60 = arith.constant dense<0.000000e+00> : vector<1xf32>
    %reduce_sum3A_61 = vector.multi_reduction <add>, %mul3A_59, %reduce_sum3A_60 [0] : vector<10000x1xf32> to vector<1xf32>
    %broadcast_in_dim3A_62 = vector.shape_cast %reduce_sum3A_61 : vector<1xf32> to vector<1x1xf32>
    %reduce_sum3A_63 = arith.constant dense<0.000000e+00> : vector<1xf32>
    %reduce_sum3A_64 = vector.multi_reduction <add>, %mul3A_58, %reduce_sum3A_63 [0] : vector<10000x1xf32> to vector<1xf32>
    %broadcast_in_dim3A_65 = vector.shape_cast %reduce_sum3A_64 : vector<1xf32> to vector<1x1xf32>
    %div3A = arith.divf %broadcast_in_dim3A_62, %broadcast_in_dim3A_65 : vector<1x1xf32>
    %swap3A = arith.constant 0 : index
    %swap3A_66 = arith.constant 0 : index
    %swap3A_67 = vector.load %arg7[%swap3A, %swap3A_66] : memref<1x1xf32, #tpu.memory_space<vmem>>, vector<1x1xf32>
    tpu.vector_store %arg7[%swap3A, %swap3A_66], %div3A {strides = array<i32>} : memref<1x1xf32, #tpu.memory_space<vmem>>, vector<1x1xf32>,
    return
  }
}

</mosaic_0001>

<sc_bundles>
// kernel: kernel.11.cloned.1.call-start
scs
__scs_entry_jumppad:
0x0: {  	(pc) =	sbr.rel $0x88, $3  }
0x1: {  	(tag) =	ssettag $0x0;
	lr =	simm.s32 $0x1  }
0x2: {  	[smem:$0x3F98] =	sst lr;
	_ =	strace $0xD0000000  }
0x3: {  	_ = 	snop  }
0x4: {  	_ = 	snop  }
0x5: {  	_ = 	snop  }
0x6: {  	_ = 	snop  }
0x7: {  	_ = 	snop  }
__scs_overlays_trampoline_lowered:
0x8: {  	[smem:$0x3FA7] =	sst s0  }
0x9: {  	[smem:$0x3FA8] =	sst s1  }
0xa: {  	[smem:$0x3FA9] =	sst s2  }
0xb: {  	[smem:$0x3FAA] =	sst s3  }
0xc: {  	[smem:$0x3FAB] =	sst s4  }
0xd: {  	[smem:$0x3FAC] =	sst s5  }
0xe: {  	[smem:$0x3FAD] =	sst s6  }
0xf: {  	[smem:$0x3FAE] =	sst s7  }
0x10: {  	[smem:$0x3FAF] =	sst s8  }
0x11: {  	[smem:$0x3FB0] =	sst s9;
	s0 =	simm.s32 @!p0 $0x0  }
0x12: {  	s1 =	sld [smem:$0x3F96];
	s0 =	simm.s32 @p0 $0x1  }
0x13: {  	[smem:$0x3FB1] =	sst s0;
	s0 =	simm.s32 @!p1 $0x0  }
0x14: {  	s2 =	sld [smem:$0x3F95];
	s0 =	simm.s32 @p1 $0x1  }
0x15: {  	[smem:$0x3FB2] =	sst s0;
	s0 =	simm.s32 @!p2 $0x0  }
0x16: {  	s3 =	sld [smem:$0x3FDB];
	s0 =	simm.s32 @p2 $0x1  }
0x17: {  	s4 =	simm.s32 $0x1BF5;
	[smem:$0x3FB4] =	sst s0  }
0x18: {  	s0 =	sld [smem:$0x3F97];
	_ =	swait.ge [sflag:s4], $0x0  }
0x19: {  	s7 =	sld [smem:$0x3F98]  }
0x1a: {  	s8 =	sadd.s32 $0xFFFFE003, lr  }
0x1b: {  	s9 =	sadd.s32 $0xFFFFFEF7, lr;
	s5 =	simm.s32 $0xFFFFFFFF;
	p2 =	slt.u32 s8, $0xFFFFF086  }
0x1c: {  	p1 =	slt.u32 s9, $0xF7A;
	s5 =	simm.s32 @!p2 $0x0  }
0x1d: {  	s5 =	simm.s32 @p1 $0x1;
	p0 =	seq.s32 s7, s2  }
0x1e: {  	s7 =	smul.u32 @!p0 $0xF7A, s2;
	p2 =	seq.s32 @!p0 s5, $0x0  }
0x1f: {  	s9 =	smul.u32 $0xF7A, s1;
	s8 =	simm.s32 @!p0 $0x1BF5;
	p2 =	por !p2, p0  }
0x20: {  	[sflag:s8] =	ssyncset.s32 @!p0 $0xFFFFF086;
	s6 =	sadd.s32 @!p0 s3, s7;
	s7 =	simm.s32 @!p0 $0x108  }
0x21: {  	s3 =	sadd.s32 s3, s9;
	s6 =	sadd.s32 @!p0 $0x88, s6;
	s7 =	simm.s32 @p2 $0x1082  }
0x22: {  	[simem:s7], [sflag:s8] =	dma.local @!p0 [hbm:s6], $0xF7A  }
0x23: {  	s9 =	sor.u32 $0xD0000000, s2;
	s6 =	simm.s32 $0x108;
	_ =	swait.ge @!p0 [sflag:s8], $0x0  }
0x24: {  	s3 =	sadd.s32 $0x88, s3;
	s6 =	simm.s32 @!p1 $0x1082;
	[sflag:s4] =	ssyncset.s32 $0xFFFFF086  }
0x25: {  	[simem:s6], [sflag:s4] =	dma.local [hbm:s3], $0xF7A  }
0x26: {  	[smem:$0x3F98] =	sst s1;
	(tag) =	ssettag s2;
	_ =	strace s9  }
0x27: {  	s1 =	sld [smem:$0x3FA8]  }
0x28: {  	s2 =	sld [smem:$0x3FA9]  }
0x29: {  	s4 =	sld [smem:$0x3FAB]  }
0x2a: {  	p0 =	seq.s32 s5, $0x0;
	s5 =	sld [smem:$0x3FAC]  }
0x2b: {  	s6 =	sld [smem:$0x3FAD]  }
0x2c: {  	s7 =	sld [smem:$0x3FAE]  }
0x2d: {  	s3 =	simm.s32 $0x108;
	s8 =	sld [smem:$0x3FAF]  }
0x2e: {  	s3 =	simm.s32 @!p0 $0x1082;
	s9 =	sld [smem:$0x3FB0]  }
0x2f: {  	lr =	sadd.s32 s0, s3;
	s0 =	sld [smem:$0x3FA7]  }
0x30: {  	s3 =	sld [smem:$0x3FAA]  }
0x31: {  	[smem:$0x3FB3] =	sst s10  }
0x32: {  	s10 =	sld [smem:$0x3FB1];
	_ =	sdelay $0x3  }
0x33: {  	p0 =	seq.s32 s10, $0x1;
	s10 =	sld [smem:$0x3FB3];
	_ =	sdelay $0x3  }
0x34: {  	[smem:$0x3FB3] =	sst s10  }
0x35: {  	s10 =	sld [smem:$0x3FB2];
	_ =	sdelay $0x3  }
0x36: {  	p1 =	seq.s32 s10, $0x1;
	s10 =	sld [smem:$0x3FB3];
	_ =	sdelay $0x3  }
0x37: {  	[smem:$0x3FB3] =	sst s10  }
0x38: {  	s10 =	sld [smem:$0x3FB4]  }
0x39: {  	_ = 	snop;
	(pc) =	sbr.ind lr, $3  }
0x3a: {  	_ = 	snop  }
0x3b: {  	_ = 	snop  }
0x3c: {  	p2 =	seq.s32 s10, $0x1;
	s10 =	sld [smem:$0x3FB3]  }
0x3d: {  	_ =	shalt  }
0x3e: {  	_ =	shalt  }
0x3f: {  	_ =	shalt  }
0x40: {  	_ =	shalt  }
0x41: {  	_ =	shalt  }
0x42: {  	_ =	shalt  }
0x43: {  	_ =	shalt  }
0x44: {  	_ =	shalt  }
0x45: {  	_ =	shalt  }
0x46: {  	_ =	shalt  }
0x47: {  	_ =	shalt  }
0x48: {  	_ =	shalt  }
0x49: {  	_ =	shalt  }
0x4a: {  	_ =	shalt  }
0x4b: {  	_ =	shalt  }
0x4c: {  	_ =	shalt  }
0x4d: {  	_ =	shalt  }
0x4e: {  	_ =	shalt  }
0x4f: {  	_ =	shalt  }
0x50: {  	_ =	shalt  }
0x51: {  	_ =	shalt  }
0x52: {  	_ =	shalt  }
0x53: {  	_ =	shalt  }
0x54: {  	_ =	shalt  }
0x55: {  	_ =	shalt  }
0x56: {  	_ =	shalt  }
0x57: {  	_ =	shalt  }
0x58: {  	_ =	shalt  }
0x59: {  	_ =	shalt  }
0x5a: {  	_ =	shalt  }
0x5b: {  	_ =	shalt  }
0x5c: {  	_ =	shalt  }
0x5d: {  	_ =	shalt  }
0x5e: {  	_ =	shalt  }
0x5f: {  	_ =	shalt  }
0x60: {  	_ =	shalt  }
0x61: {  	_ =	shalt  }
0x62: {  	_ =	shalt  }
0x63: {  	_ =	shalt  }
0x64: {  	_ =	shalt  }
0x65: {  	_ =	shalt  }
0x66: {  	_ =	shalt  }
0x67: {  	_ =	shalt  }
0x68: {  	_ =	shalt  }
0x69: {  	_ =	shalt  }
0x6a: {  	_ =	shalt  }
0x6b: {  	_ =	shalt  }
0x6c: {  	_ =	shalt  }
0x6d: {  	_ =	shalt  }
0x6e: {  	_ =	shalt  }
0x6f: {  	_ =	shalt  }
0x70: {  	_ =	shalt  }
0x71: {  	_ =	shalt  }
0x72: {  	_ =	shalt  }
0x73: {  	_ =	shalt  }
0x74: {  	_ =	shalt  }
0x75: {  	_ =	shalt  }
0x76: {  	_ =	shalt  }
0x77: {  	_ =	shalt  }
0x78: {  	_ =	shalt  }
0x79: {  	_ =	shalt  }
0x7a: {  	_ =	shalt  }
0x7b: {  	_ =	shalt  }
0x7c: {  	_ =	shalt  }
0x7d: {  	_ =	shalt  }
0x7e: {  	_ =	shalt  }
0x7f: {  	_ =	shalt  }
0x80: {  	_ =	shalt  }
0x81: {  	_ =	shalt  }
0x82: {  	_ =	shalt  }
0x83: {  	_ =	shalt  }
0x84: {  	_ =	shalt  }
0x85: {  	_ =	shalt  }
0x86: {  	_ =	shalt  }
0x87: {  	_ =	shalt  }
.Lfunc_end0:
.L_simem_size_0:
called_computation.1_lowered:
.L_overlay_start_0:
0x88: {  	s2 =	sld [smem:$0x3FD9]  }
0x89: {  	s3 =	sld [smem:$0x3FFE];
	_ =	sdelay $0x1  }
0x8a: {  	s1 =	srdreg.scid  }
0x8b: {  	s0 =	sand.u32 $0x1, s1  }
0x8c: {  	s16 =	sshll.u32 s0, $0xA;
	s2 =	sadd.s32 s3, s2  }
0x8d: {  	s2 =	sadd.s32 s2, s16  }
0x8e: {  	[smem:$0x3FBF] =	sst s2  }
0x8f: {  	_ = 	snop  }
0x90: {  	(tm) =	ssettm $0x1  }
0x91: {  	s17 =	sld [smem:$0x3FFB];
	_ =	sdelay $0x3  }
0x92: {  	_ =	strace s17  }
0x93: {  	s2 =	sld [smem:$0x3FFC];
	_ =	sdelay $0x3  }
0x94: {  	_ =	strace s2  }
0x95: {  	s2 =	sld [smem:$0x3FFD];
	_ =	sdelay $0x3  }
0x96: {  	_ =	strace s2  }
0x97: {  	_ =	strace $0x8FFFFFFF  }
0x98: {  	s18 =	sld [smem:$0x3FDB];
	_ =	sdelay $0x1  }
0x99: {  	s19 =	simm.s32 $_scs_section_size  }
0x9a: {  	s4 =	simm.s32 $_size__tile_overlayer_lowered;
	s5 =	simm.s32 $_tile_overlayer_lowered  }
0x9b: {  	s22 =	simm.s32 $0x1BFF;
	s21 =	sshll.u32 s5, $0x1;
	s2 =	sadd.s32 s19, s18  }
0x9c: {  	s6 =	simm.s32 $0x0;
	s20 =	sshll.u32 s4, $0x1;
	s4 =	sadd.s32 s21, s2  }
0x9d: {  	[timem:s6], [sflag:s22] =	dma.local [hbm:s4], s20  }
0x9e: {  	_ =	swait.ge [sflag:s22], s20  }
0x9f: {  	s3 =	ssub.s32 $0x0, s20;
	[sflag:s22] =	ssyncset.done $0x0  }
0xa0: {  	[sflag:s22] =	ssyncadd.s32 s3;
	_ =	sdelay $0x1  }
0xa1: {  	s23 =	simm.s32 $0x1B8B  }
0xa2: {  	_ =	swait.ge [sflag:s23], $0x1  }
0xa3: {  	[sflag:s23] =	ssyncset.done $0x0  }
0xa4: {  	s25 =	simm.s32 $0x1B8E;
	s24 =	sld [smem:$0x3FFE];
	[sflag:s23] =	ssyncadd.s32 $0xFFFFFFFF  }
0xa5: {  	s26 =	simm.s32 $execute0_lowered;
	[smem:$0x3FD2] =	sst s25  }
0xa6: {  	s4 =	sshll.u32 s26, $0x1;
	_ =	strace $0x80000049;
	[dreg:$0x1] =	wrdreg $0xFFFFFFFF  }
0xa7: {  	s28 =	simm.s32 $_size_execute0_lowered;
	s2 =	sadd.s32 s2, s4;
	[dreg:$0x0] =	wrdreg $0x0  }
0xa8: {  	s4 =	sshll.u32 s28, $0x1;
	[dreg:$0x2] =	wrdreg s2  }
0xa9: {  	[dreg:$0x3] =	wrdreg s4  }
0xaa: {  	[dreg:$0x4] =	wrdreg $0xC0  }
0xab: {  	_ =	task [dreg:s6], $0x5FFFF  }
0xac: {  	[dreg:$0x1] =	wrdreg $0xFFFFFFFF  }
0xad: {  	[dreg:$0x0] =	wrdreg $0x60  }
0xae: {  	[dreg:$0x2] =	wrdreg s24  }
0xaf: {  	[dreg:$0x3] =	wrdreg $0xC6200  }
0xb0: {  	[dreg:$0x4] =	wrdreg $0x9  }
0xb1: {  	_ =	task.clear_ibuf [dreg:s6], $0x5FFFF;
	_ =	strace $0x90000049  }
0xb2: {  	s29 =	simm.s32 $0x9;
	_ =	strace $0x8000004B  }
0xb3: {  	_ =	swait.ge [sflag:s29], $0x1  }
0xb4: {  	[sflag:s29] =	ssyncadd.s32 $0xFFFFFFFF  }
0xb5: {  	_ =	strace $0x9000004B  }
0xb6: {  	_ =	sfence  }
0xb7: {  	s30 =	sld [smem:$0x0];
	_ =	sdelay $0x2  }
0xb8: {  	s31 =	sshll.u32 s1, $0xD;
	s1 =	sshrl.u32 s1, $0x2  }
0xb9: {  	s3 =	sand.u32 $0x4000, s31;
	s1 =	sadd.s32 s1, s30  }
0xba: {  	s0 =	sor.u32 s3, s0;
	s1 =	sshll.u32 s1, $0x11  }
0xbb: {  	s0 =	sor.u32 s1, s0  }
0xbc: {  	s0 =	sadd.s32 $0x8F2B, s0  }
0xbd: {  	[sflag:s0] =	ssyncadd.remote.s32 $0x1  }
0xbe: {  	_ =	sfence.sel $0xFFFF  }
0xbf: {  	[dreg:$0x0] =	wrdreg $0xFFFFFFFF;
	(pc) =	sbr.abs _section_cstart, $3  }
0xc0: {  	[dreg:$0x1] =	wrdreg $0xFFFFFFFF  }
0xc1: {  	_ =	task.clear_ibuf [dreg:s6], $0x2FFFF;
	_ =	strace $0x9FFFFFFF  }
0xc2: {  	(tm) =	ssettm $0x7FFFFFFF  }
0xc3: {  	_ =	shalt  }
tec
execute0_lowered:
.L_overlay_start_1:
0x0: {  	(tag) =	ssettag $0x1  }
0x1: {  	s5 =	rddreg [dreg:$0x0]  }
0x2: {  	s0 =	srdreg.scid;
	s7 =	stileid.u32  }
0x3: {  	s1 =	rddreg [dreg:$0x1];
	s2 =	simm.s32 $0x0;
	s12 =	simm.s32 $0x1  }
0x4: {  	s13 =	simm.s32 $0x50;
	s14 =	simm.s32 $0x2;
	s15 =	simm.s32 $0x0  }
0x5: {  	s3 =	sand.u32 $0x1, s0;
	s4 =	sshll.u32 s7, $0x1;
	s0 =	rddreg [dreg:$0x2]  }
0x6: {  	[smem:$0x7FF] =	sst s2;
	p0 =	sne.s32 s7, $0x0;
	s4 =	sor.u32 s3, s4  }
0x7: {  	_ =	strace $0x8000004A;
	s6 =	smul.u32 $0x27100, s3;
	s8 =	ssub.s32 $0x2, s3  }
0x8: {  	s3 =	sadd.s32 $0x16400, s5;
	s4 =	smul.u32 $0x2710, s4;
	s10 =	sshrl.u32 s8, $0x1  }
0x9: {  	s11 =	sadd.s32 s6, s5;
	s8 =	ssub.s32 s8, s10;
	s10 =	simm.s32 $0x3  }
0xa: {  	s4 =	sshrl.u32 s4, $0x3;
	s7 =	sadd.s32 $0x64800, s11;
	s8 =	smax.u32 s8, $0x1  }
0xb: {  	s11 =	simm.s32 $0x2710;
	s9 =	sadd.s32 s4, s5;
	s4 =	sadd.s32 $0x3D600, s5  }
0xc: {  	s5 =	sadd.s32 $0x2A00, s9;
	s6 =	sadd.s32 $0xC640, s9;
	s9 =	sshrl.u32 @!p0 s1, $0x3  }
.LBB2_1:
0xd: {  	s16 =	simm.s32 @!p0 $0x1C03  }
0xe: {  	[spmem:s9], [sflag:s16] =	dma.local @!p0 [hbm:s4], $0x27200  }
0xf: {  	s16 =	simm.s32 @!p0 $0x3  }
0x10: {  	_ =	swait.ge @!p0 [sflag:s16], $0x27200  }
0x11: {  	[sflag:s16] =	ssyncset.done @!p0 $0x0  }
0x12: {  	[sflag:s16] =	ssyncadd.s32 @!p0 $0xFFFD8E00  }
0x13: {  	[tilespmem:s2], [sflag:$0x3] =	stream.linear.gather [hbm4b:s5+s2], $0x2710, $0x38;
	[tilespmem:$0x1FF20] =	vst v63  }
0x14: {  	_ =	swait.ge [sflag:s10], $0x2710  }
0x15: {  	[sflag:s10] =	ssyncset.done $0x0  }
0x16: {  	[sflag:s10] =	ssyncadd.s32 $0xFFFFD8F0  }
0x17: {  	[tilespmem:s11], [sflag:$0x3] =	stream.linear.gather [hbm4b:s6+s2], $0x2710, $0x38;
	[tilespmem:$0x1FF20] =	vst v63  }
0x18: {  	_ =	swait.ge [sflag:s10], $0x2710  }
0x19: {  	[sflag:s10] =	ssyncset.done $0x0  }
0x1a: {  	s17 =	simm.s32 $0x0;
	[sflag:s10] =	ssyncadd.s32 $0xFFFFD8F0  }
0x1b: {  	s18 =	simm.s32 $0x0;
	s16 =	simm.s32 $0x26C0;
	[bflag:$0x0] =	sbarrier.arrive $0xFFFF  }
.LBB2_2:
0x1c: {  	p1 =	seq.s32 s18, $0x7D  }
.Ltmp0:
0x1d: {  	_ = 	snop;
	(pc) =	sbr.rel @p1 .LBB2_6-.Ltmp0, $1  }
0x1e: {  	_ =	sdelay $0x3  }
0x1f: {  	s19 =	smul.u32 $0xAB, s18;
	_ =	sdelay $0x1  }
0x20: {  	s19 =	sshrl.u32 s19, $0x9  }
0x21: {  	s19 =	sand.u32 $0x7F, s19  }
0x22: {  	s19 =	smul.u32 $0x3, s19  }
0x23: {  	p1 =	slt.u32 s18, $0x3  }
.Ltmp1:
0x24: {  	s19 =	ssub.s32 s18, s19;
	(pc) =	sbr.rel @p1 .LBB2_5-.Ltmp1, $3  }
0x25: {  	s19 =	sand.u32 $0xFF, s19  }
0x26: {  	s19 =	smul.u32 $0xA000, s19;
	_ =	sdelay $0x1  }
0x27: {  	s19 =	sshrl.u32 s19, $0x2  }
.Ltmp2:
0x28: {  	(pc) =	sbr.rel .LBB2_6-.Ltmp2, $4  }
0x29: {  	_ =	swait.ge [sflag:s14], $0x2800  }
0x2a: {  	[sflag:s14] =	ssyncset.done $0x0  }
0x2b: {  	s19 =	sadd.s32 $0x4E20, s19;
	[sflag:s14] =	ssyncadd.s32 $0xFFFFD800  }
0x2c: {  	[tilespmem:s19], [sflag:$0x1] =	stream.indirect.gather [hbm4b:s3+s13], $0x80, s17, s13, $0xb8;
	[tilespmem:$0x1FF20] =	vst v63  }
.LBB2_5:
0x2d: {  	p1 =	seq.s32 s18, $0x0  }
.Ltmp3:
0x2e: {  	_ = 	snop;
	(pc) =	sbr.rel @p1 .LBB2_7-.Ltmp3, $3  }
0x2f: {  	_ =	sdelay $0x1  }
0x30: {  	s19 =	sadd.s32 $0x4E20, s19  }
0x31: {  	[tilespmem:s19], [sflag:$0x1] =	stream.indirect.gather [hbm4b:s3+s13], $0x80, s17, s13, $0xb8;
	[tilespmem:$0x1FF20] =	vst v63  }
.LBB2_6:
0x32: {  	s19 =	sadd.s32 $0xFFFFFFFF, s18  }
0x33: {  	s20 =	sand.u32 $0xFF, s19  }
0x34: {  	s20 =	smul.u32 $0xAB, s20;
	_ =	sdelay $0x1  }
0x35: {  	s20 =	sshrl.u32 s20, $0x9  }
0x36: {  	s20 =	smul.u32 $0x3, s20;
	_ =	sdelay $0x1  }
0x37: {  	s19 =	ssub.s32 s19, s20  }
0x38: {  	s19 =	sand.u32 $0xFF, s19  }
0x39: {  	s19 =	smul.u32 $0xA000, s19  }
0x3a: {  	_ =	swait.ge [sflag:s12], $0x2800  }
0x3b: {  	[sflag:s12] =	ssyncset.done $0x0;
	s19 =	sshrl.u32 s19, $0x2  }
0x3c: {  	[sflag:s12] =	ssyncadd.s32 $0xFFFFD800;
	s19 =	sadd.s32 $0x4E20, s19  }
0x3d: {  	[spmem:s1] =	stream.indirect.scatter.add.f32 [tilespmem:s19], [sflag:$0x2], $0x80, s16, s13, $0xb8;
	[tilespmem:$0x1FF20] =	vst v63  }
.LBB2_7:
0x3e: {  	s18 =	sadd.s32 $0x1, s18  }
0x3f: {  	p1 =	sne.s32 s18, $0x7E  }
.Ltmp4:
0x40: {  	_ = 	snop;
	(pc) =	sbr.rel @p1 .LBB2_2-.Ltmp4, $2  }
0x41: {  	_ =	sdelay $0x2  }
0x42: {  	s17 =	sadd.s32 $0x50, s17;
	s16 =	sadd.s32 $0x50, s16  }
0x43: {  	_ =	swait.ge [sflag:s14], $0x2800  }
0x44: {  	[sflag:s14] =	ssyncset.done $0x0  }
0x45: {  	[sflag:s14] =	ssyncadd.s32 $0xFFFFD800  }
0x46: {  	_ =	swait.ge [sflag:s14], $0x2800  }
0x47: {  	[sflag:s14] =	ssyncset.done $0x0  }
0x48: {  	[sflag:s14] =	ssyncadd.s32 $0xFFFFD800  }
0x49: {  	_ =	swait.ge [sflag:s14], $0x2800  }
0x4a: {  	[sflag:s14] =	ssyncset.done $0x0  }
0x4b: {  	s15 =	sadd.s32 $0x1, s15;
	[sflag:s14] =	ssyncadd.s32 $0xFFFFD800  }
0x4c: {  	s16 =	simm.s32 @!p0 $0x1C03;
	p1 =	sne.s32 s15, s8;
	[bflag:$0x0] =	sbarrier.arrive $0xFFFF  }
0x4d: {  	[hbm:s7], [sflag:s16] =	dma.local @!p0 [spmem:s9], $0x27100  }
.Ltmp5:
0x4e: {  	_ = 	snop;
	(pc) =	sbr.rel @p1 .LBB2_1-.Ltmp5, $4  }
0x4f: {  	s16 =	simm.s32 @!p0 $0x3  }
0x50: {  	_ =	swait.ge @!p0 [sflag:s16], $0x27100  }
0x51: {  	[sflag:s16] =	ssyncset.done @!p0 $0x0  }
0x52: {  	[sflag:s16] =	ssyncadd.s32 @!p0 $0xFFFD8F00  }
0x53: {  	_ =	sfence.sel $0x180000  }
0x54: {  	[bflag:$0x0] =	sbarrier.arrive $0xFFFF  }
0x55: {  	_ =	strace $0x9000004A  }
0x56: {  	s0 =	sadd.s32 @!p0 $0x100000, s0;
	[bflag:$0x2] =	sbarrier.arrive $0xFFFF  }
0x57: {  	[sflag:s0] =	ssyncadd.tile.s32 @!p0 $0x1;
	_ =	shalt  }
.Lfunc_end2:
_tile_overlayer_lowered:
.L_overlay_start_2:
0x58: {  	(tag) =	ssettag $0x2  }
0x59: {  	s0 =	rddreg [dreg:$0x0];
	s2 =	stileid.u32  }
0x5a: {  	s1 =	rddreg [dreg:$0x1];
	p0 =	sne.s32 s2, $0x0  }
0x5b: {  	s3 =	rddreg [dreg:$0x2];
	[bflag:$0x3] =	sbarrier.arrive $0xFFFF;
	s2 =	simm.s32 @!p0 $0x1C03  }
0x5c: {  	[timem:s3], [sflag:s2] =	dma.local @!p0 [hbm:s0], s1  }
0x5d: {  	s0 =	simm.s32 @!p0 $0x3  }
0x5e: {  	_ =	swait.ge @!p0 [sflag:s0], s1  }
0x5f: {  	s1 =	ssub.s32 @!p0 $0x0, s1;
	[sflag:s0] =	ssyncset.done @!p0 $0x0  }
0x60: {  	[sflag:s0] =	ssyncadd.s32 @!p0 s1  }
0x61: {  	[bflag:$0x3] =	sbarrier.arrive $0xFFFF  }
0x62: {  	_ =	shalt  }

// kernel: kernel.14.cloned.1.call-start
scs
__scs_entry_jumppad:
0x0: {  	(pc) =	sbr.rel $0x88, $3  }
0x1: {  	(tag) =	ssettag $0x0;
	lr =	simm.s32 $0x1  }
0x2: {  	[smem:$0x3F98] =	sst lr;
	_ =	strace $0xD0000000  }
0x3: {  	_ = 	snop  }
0x4: {  	_ = 	snop  }
0x5: {  	_ = 	snop  }
0x6: {  	_ = 	snop  }
0x7: {  	_ = 	snop  }
__scs_overlays_trampoline_lowered:
0x8: {  	[smem:$0x3FA7] =	sst s0  }
0x9: {  	[smem:$0x3FA8] =	sst s1  }
0xa: {  	[smem:$0x3FA9] =	sst s2  }
0xb: {  	[smem:$0x3FAA] =	sst s3  }
0xc: {  	[smem:$0x3FAB] =	sst s4  }
0xd: {  	[smem:$0x3FAC] =	sst s5  }
0xe: {  	[smem:$0x3FAD] =	sst s6  }
0xf: {  	[smem:$0x3FAE] =	sst s7  }
0x10: {  	[smem:$0x3FAF] =	sst s8  }
0x11: {  	[smem:$0x3FB0] =	sst s9;
	s0 =	simm.s32 @!p0 $0x0  }
0x12: {  	s1 =	sld [smem:$0x3F96];
	s0 =	simm.s32 @p0 $0x1  }
0x13: {  	[smem:$0x3FB1] =	sst s0;
	s0 =	simm.s32 @!p1 $0x0  }
0x14: {  	s2 =	sld [smem:$0x3F95];
	s0 =	simm.s32 @p1 $0x1  }
0x15: {  	[smem:$0x3FB2] =	sst s0;
	s0 =	simm.s32 @!p2 $0x0  }
0x16: {  	s3 =	sld [smem:$0x3FDB];
	s0 =	simm.s32 @p2 $0x1  }
0x17: {  	s4 =	simm.s32 $0x1BF5;
	[smem:$0x3FB4] =	sst s0  }
0x18: {  	s0 =	sld [smem:$0x3F97];
	_ =	swait.ge [sflag:s4], $0x0  }
0x19: {  	s7 =	sld [smem:$0x3F98]  }
0x1a: {  	s8 =	sadd.s32 $0xFFFFE003, lr  }
0x1b: {  	s9 =	sadd.s32 $0xFFFFFEF7, lr;
	s5 =	simm.s32 $0xFFFFFFFF;
	p2 =	slt.u32 s8, $0xFFFFF086  }
0x1c: {  	p1 =	slt.u32 s9, $0xF7A;
	s5 =	simm.s32 @!p2 $0x0  }
0x1d: {  	s5 =	simm.s32 @p1 $0x1;
	p0 =	seq.s32 s7, s2  }
0x1e: {  	s7 =	smul.u32 @!p0 $0xF7A, s2;
	p2 =	seq.s32 @!p0 s5, $0x0  }
0x1f: {  	s9 =	smul.u32 $0xF7A, s1;
	s8 =	simm.s32 @!p0 $0x1BF5;
	p2 =	por !p2, p0  }
0x20: {  	[sflag:s8] =	ssyncset.s32 @!p0 $0xFFFFF086;
	s6 =	sadd.s32 @!p0 s3, s7;
	s7 =	simm.s32 @!p0 $0x108  }
0x21: {  	s3 =	sadd.s32 s3, s9;
	s6 =	sadd.s32 @!p0 $0x88, s6;
	s7 =	simm.s32 @p2 $0x1082  }
0x22: {  	[simem:s7], [sflag:s8] =	dma.local @!p0 [hbm:s6], $0xF7A  }
0x23: {  	s9 =	sor.u32 $0xD0000000, s2;
	s6 =	simm.s32 $0x108;
	_ =	swait.ge @!p0 [sflag:s8], $0x0  }
0x24: {  	s3 =	sadd.s32 $0x88, s3;
	s6 =	simm.s32 @!p1 $0x1082;
	[sflag:s4] =	ssyncset.s32 $0xFFFFF086  }
0x25: {  	[simem:s6], [sflag:s4] =	dma.local [hbm:s3], $0xF7A  }
0x26: {  	[smem:$0x3F98] =	sst s1;
	(tag) =	ssettag s2;
	_ =	strace s9  }
0x27: {  	s1 =	sld [smem:$0x3FA8]  }
0x28: {  	s2 =	sld [smem:$0x3FA9]  }
0x29: {  	s4 =	sld [smem:$0x3FAB]  }
0x2a: {  	p0 =	seq.s32 s5, $0x0;
	s5 =	sld [smem:$0x3FAC]  }
0x2b: {  	s6 =	sld [smem:$0x3FAD]  }
0x2c: {  	s7 =	sld [smem:$0x3FAE]  }
0x2d: {  	s3 =	simm.s32 $0x108;
	s8 =	sld [smem:$0x3FAF]  }
0x2e: {  	s3 =	simm.s32 @!p0 $0x1082;
	s9 =	sld [smem:$0x3FB0]  }
0x2f: {  	lr =	sadd.s32 s0, s3;
	s0 =	sld [smem:$0x3FA7]  }
0x30: {  	s3 =	sld [smem:$0x3FAA]  }
0x31: {  	[smem:$0x3FB3] =	sst s10  }
0x32: {  	s10 =	sld [smem:$0x3FB1];
	_ =	sdelay $0x3  }
0x33: {  	p0 =	seq.s32 s10, $0x1;
	s10 =	sld [smem:$0x3FB3];
	_ =	sdelay $0x3  }
0x34: {  	[smem:$0x3FB3] =	sst s10  }
0x35: {  	s10 =	sld [smem:$0x3FB2];
	_ =	sdelay $0x3  }
0x36: {  	p1 =	seq.s32 s10, $0x1;
	s10 =	sld [smem:$0x3FB3];
	_ =	sdelay $0x3  }
0x37: {  	[smem:$0x3FB3] =	sst s10  }
0x38: {  	s10 =	sld [smem:$0x3FB4]  }
0x39: {  	_ = 	snop;
	(pc) =	sbr.ind lr, $3  }
0x3a: {  	_ = 	snop  }
0x3b: {  	_ = 	snop  }
0x3c: {  	p2 =	seq.s32 s10, $0x1;
	s10 =	sld [smem:$0x3FB3]  }
0x3d: {  	_ =	shalt  }
0x3e: {  	_ =	shalt  }
0x3f: {  	_ =	shalt  }
0x40: {  	_ =	shalt  }
0x41: {  	_ =	shalt  }
0x42: {  	_ =	shalt  }
0x43: {  	_ =	shalt  }
0x44: {  	_ =	shalt  }
0x45: {  	_ =	shalt  }
0x46: {  	_ =	shalt  }
0x47: {  	_ =	shalt  }
0x48: {  	_ =	shalt  }
0x49: {  	_ =	shalt  }
0x4a: {  	_ =	shalt  }
0x4b: {  	_ =	shalt  }
0x4c: {  	_ =	shalt  }
0x4d: {  	_ =	shalt  }
0x4e: {  	_ =	shalt  }
0x4f: {  	_ =	shalt  }
0x50: {  	_ =	shalt  }
0x51: {  	_ =	shalt  }
0x52: {  	_ =	shalt  }
0x53: {  	_ =	shalt  }
0x54: {  	_ =	shalt  }
0x55: {  	_ =	shalt  }
0x56: {  	_ =	shalt  }
0x57: {  	_ =	shalt  }
0x58: {  	_ =	shalt  }
0x59: {  	_ =	shalt  }
0x5a: {  	_ =	shalt  }
0x5b: {  	_ =	shalt  }
0x5c: {  	_ =	shalt  }
0x5d: {  	_ =	shalt  }
0x5e: {  	_ =	shalt  }
0x5f: {  	_ =	shalt  }
0x60: {  	_ =	shalt  }
0x61: {  	_ =	shalt  }
0x62: {  	_ =	shalt  }
0x63: {  	_ =	shalt  }
0x64: {  	_ =	shalt  }
0x65: {  	_ =	shalt  }
0x66: {  	_ =	shalt  }
0x67: {  	_ =	shalt  }
0x68: {  	_ =	shalt  }
0x69: {  	_ =	shalt  }
0x6a: {  	_ =	shalt  }
0x6b: {  	_ =	shalt  }
0x6c: {  	_ =	shalt  }
0x6d: {  	_ =	shalt  }
0x6e: {  	_ =	shalt  }
0x6f: {  	_ =	shalt  }
0x70: {  	_ =	shalt  }
0x71: {  	_ =	shalt  }
0x72: {  	_ =	shalt  }
0x73: {  	_ =	shalt  }
0x74: {  	_ =	shalt  }
0x75: {  	_ =	shalt  }
0x76: {  	_ =	shalt  }
0x77: {  	_ =	shalt  }
0x78: {  	_ =	shalt  }
0x79: {  	_ =	shalt  }
0x7a: {  	_ =	shalt  }
0x7b: {  	_ =	shalt  }
0x7c: {  	_ =	shalt  }
0x7d: {  	_ =	shalt  }
0x7e: {  	_ =	shalt  }
0x7f: {  	_ =	shalt  }
0x80: {  	_ =	shalt  }
0x81: {  	_ =	shalt  }
0x82: {  	_ =	shalt  }
0x83: {  	_ =	shalt  }
0x84: {  	_ =	shalt  }
0x85: {  	_ =	shalt  }
0x86: {  	_ =	shalt  }
0x87: {  	_ =	shalt  }
.Lfunc_end0:
.L_simem_size_0:
called_computation.2_lowered:
.L_overlay_start_0:
0x88: {  	s2 =	sld [smem:$0x3FD9]  }
0x89: {  	s3 =	sld [smem:$0x3FFE];
	_ =	sdelay $0x1  }
0x8a: {  	s1 =	srdreg.scid  }
0x8b: {  	s0 =	sand.u32 $0x1, s1  }
0x8c: {  	s16 =	sshll.u32 s0, $0xA;
	s2 =	sadd.s32 s3, s2  }
0x8d: {  	s2 =	sadd.s32 s2, s16  }
0x8e: {  	[smem:$0x3FBF] =	sst s2  }
0x8f: {  	_ = 	snop  }
0x90: {  	(tm) =	ssettm $0x1  }
0x91: {  	s17 =	sld [smem:$0x3FFB];
	_ =	sdelay $0x3  }
0x92: {  	_ =	strace s17  }
0x93: {  	s2 =	sld [smem:$0x3FFC];
	_ =	sdelay $0x3  }
0x94: {  	_ =	strace s2  }
0x95: {  	s2 =	sld [smem:$0x3FFD];
	_ =	sdelay $0x3  }
0x96: {  	_ =	strace s2  }
0x97: {  	_ =	strace $0x8FFFFFFF  }
0x98: {  	s18 =	sld [smem:$0x3FDB];
	_ =	sdelay $0x1  }
0x99: {  	s19 =	simm.s32 $_scs_section_size  }
0x9a: {  	s4 =	simm.s32 $_size__tile_overlayer_lowered;
	s5 =	simm.s32 $_tile_overlayer_lowered  }
0x9b: {  	s22 =	simm.s32 $0x1BFF;
	s21 =	sshll.u32 s5, $0x1;
	s2 =	sadd.s32 s19, s18  }
0x9c: {  	s6 =	simm.s32 $0x0;
	s20 =	sshll.u32 s4, $0x1;
	s4 =	sadd.s32 s21, s2  }
0x9d: {  	[timem:s6], [sflag:s22] =	dma.local [hbm:s4], s20  }
0x9e: {  	_ =	swait.ge [sflag:s22], s20  }
0x9f: {  	s3 =	ssub.s32 $0x0, s20;
	[sflag:s22] =	ssyncset.done $0x0  }
0xa0: {  	[sflag:s22] =	ssyncadd.s32 s3;
	_ =	sdelay $0x1  }
0xa1: {  	s23 =	simm.s32 $0x1B8B  }
0xa2: {  	_ =	swait.ge [sflag:s23], $0x1  }
0xa3: {  	[sflag:s23] =	ssyncset.done $0x0  }
0xa4: {  	s25 =	simm.s32 $0x1B8E;
	s24 =	sld [smem:$0x3FFE];
	[sflag:s23] =	ssyncadd.s32 $0xFFFFFFFF  }
0xa5: {  	s26 =	simm.s32 $execute0_lowered;
	[smem:$0x3FD2] =	sst s25  }
0xa6: {  	s4 =	sshll.u32 s26, $0x1;
	_ =	strace $0x8000004C;
	[dreg:$0x1] =	wrdreg $0xFFFFFFFF  }
0xa7: {  	s28 =	simm.s32 $_size_execute0_lowered;
	s2 =	sadd.s32 s2, s4;
	[dreg:$0x0] =	wrdreg $0x0  }
0xa8: {  	s4 =	sshll.u32 s28, $0x1;
	[dreg:$0x2] =	wrdreg s2  }
0xa9: {  	[dreg:$0x3] =	wrdreg s4  }
0xaa: {  	[dreg:$0x4] =	wrdreg $0xC0  }
0xab: {  	_ =	task [dreg:s6], $0x5FFFF  }
0xac: {  	[dreg:$0x1] =	wrdreg $0xFFFFFFFF  }
0xad: {  	[dreg:$0x0] =	wrdreg $0x60  }
0xae: {  	[dreg:$0x2] =	wrdreg s24  }
0xaf: {  	[dreg:$0x3] =	wrdreg $0x102200  }
0xb0: {  	[dreg:$0x4] =	wrdreg $0x9  }
0xb1: {  	_ =	task.clear_ibuf [dreg:s6], $0x5FFFF;
	_ =	strace $0x9000004C  }
0xb2: {  	s29 =	simm.s32 $0x9;
	_ =	strace $0x8000004E  }
0xb3: {  	_ =	swait.ge [sflag:s29], $0x1  }
0xb4: {  	[sflag:s29] =	ssyncadd.s32 $0xFFFFFFFF  }
0xb5: {  	_ =	strace $0x9000004E  }
0xb6: {  	_ =	sfence  }
0xb7: {  	s30 =	sld [smem:$0x0];
	_ =	sdelay $0x2  }
0xb8: {  	s31 =	sshll.u32 s1, $0xD;
	s1 =	sshrl.u32 s1, $0x2  }
0xb9: {  	s3 =	sand.u32 $0x4000, s31;
	s1 =	sadd.s32 s1, s30  }
0xba: {  	s0 =	sor.u32 s3, s0;
	s1 =	sshll.u32 s1, $0x11  }
0xbb: {  	s0 =	sor.u32 s1, s0  }
0xbc: {  	s0 =	sadd.s32 $0x8F2B, s0  }
0xbd: {  	[sflag:s0] =	ssyncadd.remote.s32 $0x1  }
0xbe: {  	_ =	sfence.sel $0xFFFF  }
0xbf: {  	[dreg:$0x0] =	wrdreg $0xFFFFFFFF;
	(pc) =	sbr.abs _section_cstart, $3  }
0xc0: {  	[dreg:$0x1] =	wrdreg $0xFFFFFFFF  }
0xc1: {  	_ =	task.clear_ibuf [dreg:s6], $0x2FFFF;
	_ =	strace $0x9FFFFFFF  }
0xc2: {  	(tm) =	ssettm $0x7FFFFFFF  }
0xc3: {  	_ =	shalt  }
tec
execute0_lowered:
.L_overlay_start_1:
0x0: {  	(tag) =	ssettag $0x1  }
0x1: {  	s5 =	rddreg [dreg:$0x0];
	s0 =	srdreg.scid  }
0x2: {  	s7 =	stileid.u32;
	s1 =	rddreg [dreg:$0x1]  }
0x3: {  	s2 =	simm.s32 $0x0;
	s12 =	simm.s32 $0x2;
	s13 =	simm.s32 $0x50  }
0x4: {  	s14 =	simm.s32 $0x1;
	s3 =	sand.u32 $0x1, s0;
	s0 =	rddreg [dreg:$0x2]  }
0x5: {  	s15 =	simm.s32 $0x0;
	s4 =	sshll.u32 s7, $0x1;
	[smem:$0x7FF] =	sst s2  }
0x6: {  	p0 =	sne.s32 s7, $0x0;
	s4 =	sor.u32 s3, s4;
	s6 =	smul.u32 $0xEA60, s3  }
0x7: {  	_ =	strace $0x8000004D;
	s8 =	ssub.s32 $0x2, s3;
	s4 =	smul.u32 $0x2710, s4  }
.Ltmp0:
0x8: {  	s3 =	sadd.s32 $0x16400, s5;
	s10 =	sshrl.u32 s8, $0x1;
	(pc) =	sbr.rel .LBB2_1-.Ltmp0, $4  }
0x9: {  	s11 =	sadd.s32 s6, s5;
	s8 =	ssub.s32 s8, s10;
	s10 =	simm.s32 $0x3  }
0xa: {  	s4 =	sshrl.u32 s4, $0x3;
	s7 =	sadd.s32 $0x33C00, s11;
	s8 =	smax.u32 s8, $0x1  }
0xb: {  	s11 =	simm.s32 $0x2710;
	s9 =	sadd.s32 s4, s5;
	s4 =	sadd.s32 $0x25000, s5  }
0xc: {  	s5 =	sadd.s32 $0x2A00, s9;
	s6 =	sadd.s32 $0xC640, s9;
	s9 =	sshrl.u32 @!p0 s1, $0x3  }
.LBB2_8:
0xd: {  	_ =	swait.ge [sflag:s12], $0xF00  }
0xe: {  	[sflag:s12] =	ssyncset.done $0x0  }
0xf: {  	[sflag:s12] =	ssyncadd.s32 $0xFFFFF100  }
0x10: {  	_ =	swait.ge [sflag:s12], $0xF00  }
0x11: {  	[sflag:s12] =	ssyncset.done $0x0  }
0x12: {  	[sflag:s12] =	ssyncadd.s32 $0xFFFFF100  }
0x13: {  	_ =	swait.ge [sflag:s12], $0xF00  }
0x14: {  	[sflag:s12] =	ssyncset.done $0x0  }
0x15: {  	[sflag:s12] =	ssyncadd.s32 $0xFFFFF100  }
0x16: {  	_ =	swait.ge [sflag:s12], $0xF00  }
0x17: {  	[sflag:s12] =	ssyncset.done $0x0  }
0x18: {  	[sflag:s12] =	ssyncadd.s32 $0xFFFFF100  }
0x19: {  	_ =	swait.ge [sflag:s12], $0xF00  }
0x1a: {  	[sflag:s12] =	ssyncset.done $0x0  }
0x1b: {  	[sflag:s12] =	ssyncadd.s32 $0xFFFFF100  }
0x1c: {  	_ =	swait.ge [sflag:s12], $0xF00  }
0x1d: {  	[sflag:s12] =	ssyncset.done $0x0  }
0x1e: {  	[sflag:s12] =	ssyncadd.s32 $0xFFFFF100  }
0x1f: {  	_ =	swait.ge [sflag:s12], $0xF00  }
0x20: {  	[sflag:s12] =	ssyncset.done $0x0  }
0x21: {  	[sflag:s12] =	ssyncadd.s32 $0xFFFFF100  }
0x22: {  	_ =	swait.ge [sflag:s12], $0xF00  }
0x23: {  	[sflag:s12] =	ssyncset.done $0x0  }
0x24: {  	[sflag:s12] =	ssyncadd.s32 $0xFFFFF100  }
0x25: {  	_ =	swait.ge [sflag:s12], $0xF00  }
0x26: {  	[sflag:s12] =	ssyncset.done $0x0  }
0x27: {  	[sflag:s12] =	ssyncadd.s32 $0xFFFFF100  }
0x28: {  	_ =	swait.ge [sflag:s12], $0xF00  }
0x29: {  	[sflag:s12] =	ssyncset.done $0x0  }
0x2a: {  	[sflag:s12] =	ssyncadd.s32 $0xFFFFF100  }
0x2b: {  	_ =	swait.ge [sflag:s12], $0xF00  }
0x2c: {  	[sflag:s12] =	ssyncset.done $0x0  }
0x2d: {  	[sflag:s12] =	ssyncadd.s32 $0xFFFFF100  }
0x2e: {  	_ =	swait.ge [sflag:s12], $0xF00  }
0x2f: {  	[sflag:s12] =	ssyncset.done $0x0  }
0x30: {  	s15 =	sadd.s32 $0x1, s15;
	[sflag:s12] =	ssyncadd.s32 $0xFFFFF100  }
0x31: {  	s16 =	simm.s32 @!p0 $0x1C03;
	p1 =	sne.s32 s15, s8;
	[bflag:$0x0] =	sbarrier.arrive $0xFFFF  }
0x32: {  	[hbm:s7], [sflag:s16] =	dma.local @!p0 [spmem:s9], $0xEA60  }
.Ltmp1:
0x33: {  	_ = 	snop;
	(pc) =	sbr.rel @!p1 .LBB2_9-.Ltmp1, $4  }
0x34: {  	s16 =	simm.s32 @!p0 $0x3  }
0x35: {  	_ =	swait.ge @!p0 [sflag:s16], $0xEA60  }
0x36: {  	[sflag:s16] =	ssyncset.done @!p0 $0x0  }
0x37: {  	[sflag:s16] =	ssyncadd.s32 @!p0 $0xFFFF15A0  }
.LBB2_1:
0x38: {  	s16 =	simm.s32 @!p0 $0x1C03  }
0x39: {  	[spmem:s9], [sflag:s16] =	dma.local @!p0 [hbm:s4], $0xEAC0  }
0x3a: {  	s16 =	simm.s32 @!p0 $0x3  }
0x3b: {  	_ =	swait.ge @!p0 [sflag:s16], $0xEAC0  }
0x3c: {  	[sflag:s16] =	ssyncset.done @!p0 $0x0  }
0x3d: {  	[sflag:s16] =	ssyncadd.s32 @!p0 $0xFFFF1540  }
0x3e: {  	[tilespmem:s2], [sflag:$0x3] =	stream.linear.gather [hbm4b:s5+s2], $0x2710, $0x38;
	[tilespmem:$0x17780] =	vst v63  }
0x3f: {  	_ =	swait.ge [sflag:s10], $0x2710  }
0x40: {  	[sflag:s10] =	ssyncset.done $0x0  }
0x41: {  	[sflag:s10] =	ssyncadd.s32 $0xFFFFD8F0  }
0x42: {  	[tilespmem:s11], [sflag:$0x3] =	stream.linear.gather [hbm4b:s6+s2], $0x2710, $0x38;
	[tilespmem:$0x17780] =	vst v63  }
.Ltmp2:
0x43: {  	_ =	swait.ge [sflag:s10], $0x2710;
	(pc) =	sbr.rel .LBB2_2-.Ltmp2, $4  }
0x44: {  	[sflag:s10] =	ssyncset.done $0x0  }
0x45: {  	[sflag:s10] =	ssyncadd.s32 $0xFFFFD8F0  }
0x46: {  	[bflag:$0x0] =	sbarrier.arrive $0xFFFF  }
0x47: {  	s17 =	simm.s32 $0x2530;
	s18 =	simm.s32 $0x0;
	s16 =	simm.s32 $0xFFFFFFFA  }
.LBB2_4:
0x48: {  	_ =	swait.ge [sflag:s12], $0xF00  }
0x49: {  	[sflag:s12] =	ssyncset.done $0x0  }
0x4a: {  	s19 =	sadd.s32 $0x4E20, s20;
	[sflag:s12] =	ssyncadd.s32 $0xFFFFF100  }
0x4b: {  	[tilespmem:s19], [sflag:$0x1] =	stream.indirect.gather [hbm4b:s3+s13], $0x30, s18, s13, $0xb8;
	[tilespmem:$0x17780] =	vst v63  }
.LBB2_6:
0x4c: {  	s19 =	sand.u32 $0xFF, s16  }
0x4d: {  	s19 =	smul.u32 $0xAB, s19;
	_ =	sdelay $0x1  }
0x4e: {  	s19 =	sshrl.u32 s19, $0xB  }
0x4f: {  	s19 =	smul.u32 $0xC, s19;
	_ =	sdelay $0x1  }
0x50: {  	s19 =	ssub.s32 s16, s19  }
0x51: {  	s19 =	sand.u32 $0xFF, s19  }
0x52: {  	s19 =	smul.u32 $0x3C00, s19  }
0x53: {  	_ =	swait.ge [sflag:s14], $0xF00  }
0x54: {  	[sflag:s14] =	ssyncset.done $0x0;
	s19 =	sshrl.u32 s19, $0x2  }
0x55: {  	[sflag:s14] =	ssyncadd.s32 $0xFFFFF100;
	s19 =	sadd.s32 $0x4E20, s19  }
0x56: {  	[spmem:s1] =	stream.indirect.scatter.add.f32 [tilespmem:s19], [sflag:$0x2], $0x30, s17, s13, $0xb8;
	[tilespmem:$0x17780] =	vst v63  }
.LBB2_7:
0x57: {  	s16 =	sadd.s32 $0x1, s16  }
0x58: {  	p1 =	sne.s32 s16, $0x7D  }
.Ltmp3:
0x59: {  	_ = 	snop;
	(pc) =	sbr.rel @!p1 .LBB2_8-.Ltmp3, $2  }
0x5a: {  	_ =	sdelay $0x2  }
0x5b: {  	s18 =	sadd.s32 $0x50, s18;
	s17 =	sadd.s32 $0x50, s17  }
.LBB2_2:
0x5c: {  	s19 =	sadd.s32 $0x6, s16  }
0x5d: {  	p1 =	sgt.u32 s19, $0x7C  }
.Ltmp4:
0x5e: {  	_ = 	snop;
	(pc) =	sbr.rel @p1 .LBB2_6-.Ltmp4, $1  }
0x5f: {  	_ =	sdelay $0x3  }
0x60: {  	s20 =	smul.u32 $0xAB, s19;
	_ =	sdelay $0x1  }
0x61: {  	s20 =	sshrl.u32 s20, $0xB  }
0x62: {  	s20 =	sand.u32 $0x1F, s20  }
0x63: {  	s20 =	smul.u32 $0xC, s20  }
0x64: {  	p1 =	slt.u32 s19, $0xC  }
.Ltmp5:
0x65: {  	s20 =	ssub.s32 s19, s20;
	(pc) =	sbr.rel @!p1 .LBB2_4-.Ltmp5, $3  }
0x66: {  	s20 =	sand.u32 $0xFF, s20  }
0x67: {  	s20 =	smul.u32 $0x3C00, s20;
	_ =	sdelay $0x1  }
0x68: {  	s20 =	sshrl.u32 s20, $0x2  }
0x69: {  	p1 =	slt.u32 s19, $0x6  }
.Ltmp6:
0x6a: {  	_ = 	snop;
	(pc) =	sbr.rel @p1 .LBB2_7-.Ltmp6, $4  }
.Ltmp7:
0x6b: {  	_ = 	snop;
	(pc) =	sbr.rel @!p1 .LBB2_6-.Ltmp7, $4  }
0x6c: {  	_ = 	snop  }
0x6d: {  	s20 =	sadd.s32 $0x4E20, s20  }
0x6e: {  	[tilespmem:s20], [sflag:$0x1] =	stream.indirect.gather [hbm4b:s3+s13], $0x30, s18, s13, $0xb8;
	[tilespmem:$0x17780] =	vst v63  }
0x6f: {  	_ = 	snop  }
.LBB2_9:
0x70: {  	_ =	sfence.sel $0x180000  }
0x71: {  	[bflag:$0x0] =	sbarrier.arrive $0xFFFF  }
0x72: {  	_ =	strace $0x9000004D  }
0x73: {  	s0 =	sadd.s32 @!p0 $0x100000, s0;
	[bflag:$0x2] =	sbarrier.arrive $0xFFFF  }
0x74: {  	[sflag:s0] =	ssyncadd.tile.s32 @!p0 $0x1;
	_ =	shalt  }
.Lfunc_end2:
_tile_overlayer_lowered:
.L_overlay_start_2:
0x75: {  	(tag) =	ssettag $0x2  }
0x76: {  	s0 =	rddreg [dreg:$0x0];
	s2 =	stileid.u32  }
0x77: {  	s1 =	rddreg [dreg:$0x1];
	p0 =	sne.s32 s2, $0x0  }
0x78: {  	s3 =	rddreg [dreg:$0x2];
	[bflag:$0x3] =	sbarrier.arrive $0xFFFF;
	s2 =	simm.s32 @!p0 $0x1C03  }
0x79: {  	[timem:s3], [sflag:s2] =	dma.local @!p0 [hbm:s0], s1  }
0x7a: {  	s0 =	simm.s32 @!p0 $0x3  }
0x7b: {  	_ =	swait.ge @!p0 [sflag:s0], s1  }
0x7c: {  	s1 =	ssub.s32 @!p0 $0x0, s1;
	[sflag:s0] =	ssyncset.done @!p0 $0x0  }
0x7d: {  	[sflag:s0] =	ssyncadd.s32 @!p0 s1  }
0x7e: {  	[bflag:$0x3] =	sbarrier.arrive $0xFFFF  }
0x7f: {  	_ =	shalt  }

// kernel: kernel.8.cloned.1.call-start
scs
__scs_entry_jumppad:
0x0: {  	(pc) =	sbr.rel $0x88, $3  }
0x1: {  	(tag) =	ssettag $0x0;
	lr =	simm.s32 $0x1  }
0x2: {  	[smem:$0x3F98] =	sst lr;
	_ =	strace $0xD0000000  }
0x3: {  	_ = 	snop  }
0x4: {  	_ = 	snop  }
0x5: {  	_ = 	snop  }
0x6: {  	_ = 	snop  }
0x7: {  	_ = 	snop  }
__scs_overlays_trampoline_lowered:
0x8: {  	[smem:$0x3FA7] =	sst s0  }
0x9: {  	[smem:$0x3FA8] =	sst s1  }
0xa: {  	[smem:$0x3FA9] =	sst s2  }
0xb: {  	[smem:$0x3FAA] =	sst s3  }
0xc: {  	[smem:$0x3FAB] =	sst s4  }
0xd: {  	[smem:$0x3FAC] =	sst s5  }
0xe: {  	[smem:$0x3FAD] =	sst s6  }
0xf: {  	[smem:$0x3FAE] =	sst s7  }
0x10: {  	[smem:$0x3FAF] =	sst s8  }
0x11: {  	[smem:$0x3FB0] =	sst s9;
	s0 =	simm.s32 @!p0 $0x0  }
0x12: {  	s1 =	sld [smem:$0x3F96];
	s0 =	simm.s32 @p0 $0x1  }
0x13: {  	[smem:$0x3FB1] =	sst s0;
	s0 =	simm.s32 @!p1 $0x0  }
0x14: {  	s2 =	sld [smem:$0x3F95];
	s0 =	simm.s32 @p1 $0x1  }
0x15: {  	[smem:$0x3FB2] =	sst s0;
	s0 =	simm.s32 @!p2 $0x0  }
0x16: {  	s3 =	sld [smem:$0x3FDB];
	s0 =	simm.s32 @p2 $0x1  }
0x17: {  	s4 =	simm.s32 $0x1BF5;
	[smem:$0x3FB4] =	sst s0  }
0x18: {  	s0 =	sld [smem:$0x3F97];
	_ =	swait.ge [sflag:s4], $0x0  }
0x19: {  	s7 =	sld [smem:$0x3F98]  }
0x1a: {  	s8 =	sadd.s32 $0xFFFFE003, lr  }
0x1b: {  	s9 =	sadd.s32 $0xFFFFFEF7, lr;
	s5 =	simm.s32 $0xFFFFFFFF;
	p2 =	slt.u32 s8, $0xFFFFF086  }
0x1c: {  	p1 =	slt.u32 s9, $0xF7A;
	s5 =	simm.s32 @!p2 $0x0  }
0x1d: {  	s5 =	simm.s32 @p1 $0x1;
	p0 =	seq.s32 s7, s2  }
0x1e: {  	s7 =	smul.u32 @!p0 $0xF7A, s2;
	p2 =	seq.s32 @!p0 s5, $0x0  }
0x1f: {  	s9 =	smul.u32 $0xF7A, s1;
	s8 =	simm.s32 @!p0 $0x1BF5;
	p2 =	por !p2, p0  }
0x20: {  	[sflag:s8] =	ssyncset.s32 @!p0 $0xFFFFF086;
	s6 =	sadd.s32 @!p0 s3, s7;
	s7 =	simm.s32 @!p0 $0x108  }
0x21: {  	s3 =	sadd.s32 s3, s9;
	s6 =	sadd.s32 @!p0 $0x88, s6;
	s7 =	simm.s32 @p2 $0x1082  }
0x22: {  	[simem:s7], [sflag:s8] =	dma.local @!p0 [hbm:s6], $0xF7A  }
0x23: {  	s9 =	sor.u32 $0xD0000000, s2;
	s6 =	simm.s32 $0x108;
	_ =	swait.ge @!p0 [sflag:s8], $0x0  }
0x24: {  	s3 =	sadd.s32 $0x88, s3;
	s6 =	simm.s32 @!p1 $0x1082;
	[sflag:s4] =	ssyncset.s32 $0xFFFFF086  }
0x25: {  	[simem:s6], [sflag:s4] =	dma.local [hbm:s3], $0xF7A  }
0x26: {  	[smem:$0x3F98] =	sst s1;
	(tag) =	ssettag s2;
	_ =	strace s9  }
0x27: {  	s1 =	sld [smem:$0x3FA8]  }
0x28: {  	s2 =	sld [smem:$0x3FA9]  }
0x29: {  	s4 =	sld [smem:$0x3FAB]  }
0x2a: {  	p0 =	seq.s32 s5, $0x0;
	s5 =	sld [smem:$0x3FAC]  }
0x2b: {  	s6 =	sld [smem:$0x3FAD]  }
0x2c: {  	s7 =	sld [smem:$0x3FAE]  }
0x2d: {  	s3 =	simm.s32 $0x108;
	s8 =	sld [smem:$0x3FAF]  }
0x2e: {  	s3 =	simm.s32 @!p0 $0x1082;
	s9 =	sld [smem:$0x3FB0]  }
0x2f: {  	lr =	sadd.s32 s0, s3;
	s0 =	sld [smem:$0x3FA7]  }
0x30: {  	s3 =	sld [smem:$0x3FAA]  }
0x31: {  	[smem:$0x3FB3] =	sst s10  }
0x32: {  	s10 =	sld [smem:$0x3FB1];
	_ =	sdelay $0x3  }
0x33: {  	p0 =	seq.s32 s10, $0x1;
	s10 =	sld [smem:$0x3FB3];
	_ =	sdelay $0x3  }
0x34: {  	[smem:$0x3FB3] =	sst s10  }
0x35: {  	s10 =	sld [smem:$0x3FB2];
	_ =	sdelay $0x3  }
0x36: {  	p1 =	seq.s32 s10, $0x1;
	s10 =	sld [smem:$0x3FB3];
	_ =	sdelay $0x3  }
0x37: {  	[smem:$0x3FB3] =	sst s10  }
0x38: {  	s10 =	sld [smem:$0x3FB4]  }
0x39: {  	_ = 	snop;
	(pc) =	sbr.ind lr, $3  }
0x3a: {  	_ = 	snop  }
0x3b: {  	_ = 	snop  }
0x3c: {  	p2 =	seq.s32 s10, $0x1;
	s10 =	sld [smem:$0x3FB3]  }
0x3d: {  	_ =	shalt  }
0x3e: {  	_ =	shalt  }
0x3f: {  	_ =	shalt  }
0x40: {  	_ =	shalt  }
0x41: {  	_ =	shalt  }
0x42: {  	_ =	shalt  }
0x43: {  	_ =	shalt  }
0x44: {  	_ =	shalt  }
0x45: {  	_ =	shalt  }
0x46: {  	_ =	shalt  }
0x47: {  	_ =	shalt  }
0x48: {  	_ =	shalt  }
0x49: {  	_ =	shalt  }
0x4a: {  	_ =	shalt  }
0x4b: {  	_ =	shalt  }
0x4c: {  	_ =	shalt  }
0x4d: {  	_ =	shalt  }
0x4e: {  	_ =	shalt  }
0x4f: {  	_ =	shalt  }
0x50: {  	_ =	shalt  }
0x51: {  	_ =	shalt  }
0x52: {  	_ =	shalt  }
0x53: {  	_ =	shalt  }
0x54: {  	_ =	shalt  }
0x55: {  	_ =	shalt  }
0x56: {  	_ =	shalt  }
0x57: {  	_ =	shalt  }
0x58: {  	_ =	shalt  }
0x59: {  	_ =	shalt  }
0x5a: {  	_ =	shalt  }
0x5b: {  	_ =	shalt  }
0x5c: {  	_ =	shalt  }
0x5d: {  	_ =	shalt  }
0x5e: {  	_ =	shalt  }
0x5f: {  	_ =	shalt  }
0x60: {  	_ =	shalt  }
0x61: {  	_ =	shalt  }
0x62: {  	_ =	shalt  }
0x63: {  	_ =	shalt  }
0x64: {  	_ =	shalt  }
0x65: {  	_ =	shalt  }
0x66: {  	_ =	shalt  }
0x67: {  	_ =	shalt  }
0x68: {  	_ =	shalt  }
0x69: {  	_ =	shalt  }
0x6a: {  	_ =	shalt  }
0x6b: {  	_ =	shalt  }
0x6c: {  	_ =	shalt  }
0x6d: {  	_ =	shalt  }
0x6e: {  	_ =	shalt  }
0x6f: {  	_ =	shalt  }
0x70: {  	_ =	shalt  }
0x71: {  	_ =	shalt  }
0x72: {  	_ =	shalt  }
0x73: {  	_ =	shalt  }
0x74: {  	_ =	shalt  }
0x75: {  	_ =	shalt  }
0x76: {  	_ =	shalt  }
0x77: {  	_ =	shalt  }
0x78: {  	_ =	shalt  }
0x79: {  	_ =	shalt  }
0x7a: {  	_ =	shalt  }
0x7b: {  	_ =	shalt  }
0x7c: {  	_ =	shalt  }
0x7d: {  	_ =	shalt  }
0x7e: {  	_ =	shalt  }
0x7f: {  	_ =	shalt  }
0x80: {  	_ =	shalt  }
0x81: {  	_ =	shalt  }
0x82: {  	_ =	shalt  }
0x83: {  	_ =	shalt  }
0x84: {  	_ =	shalt  }
0x85: {  	_ =	shalt  }
0x86: {  	_ =	shalt  }
0x87: {  	_ =	shalt  }
.Lfunc_end0:
.L_simem_size_0:
called_computation_lowered:
.L_overlay_start_0:
0x88: {  	s2 =	sld [smem:$0x3FD9]  }
0x89: {  	s3 =	sld [smem:$0x3FFE];
	_ =	sdelay $0x1  }
0x8a: {  	s1 =	srdreg.scid  }
0x8b: {  	s0 =	sand.u32 $0x1, s1  }
0x8c: {  	s16 =	sshll.u32 s0, $0xA;
	s2 =	sadd.s32 s3, s2  }
0x8d: {  	s2 =	sadd.s32 s2, s16  }
0x8e: {  	[smem:$0x3FBF] =	sst s2  }
0x8f: {  	_ = 	snop  }
0x90: {  	(tm) =	ssettm $0x1  }
0x91: {  	s17 =	sld [smem:$0x3FFB];
	_ =	sdelay $0x3  }
0x92: {  	_ =	strace s17  }
0x93: {  	s2 =	sld [smem:$0x3FFC];
	_ =	sdelay $0x3  }
0x94: {  	_ =	strace s2  }
0x95: {  	s2 =	sld [smem:$0x3FFD];
	_ =	sdelay $0x3  }
0x96: {  	_ =	strace s2  }
0x97: {  	_ =	strace $0x8FFFFFFF  }
0x98: {  	s18 =	sld [smem:$0x3FDB];
	_ =	sdelay $0x1  }
0x99: {  	s19 =	simm.s32 $_scs_section_size  }
0x9a: {  	s4 =	simm.s32 $_size__tile_overlayer_lowered;
	s5 =	simm.s32 $_tile_overlayer_lowered  }
0x9b: {  	s22 =	simm.s32 $0x1BFF;
	s21 =	sshll.u32 s5, $0x1;
	s2 =	sadd.s32 s19, s18  }
0x9c: {  	s6 =	simm.s32 $0x0;
	s20 =	sshll.u32 s4, $0x1;
	s4 =	sadd.s32 s21, s2  }
0x9d: {  	[timem:s6], [sflag:s22] =	dma.local [hbm:s4], s20  }
0x9e: {  	_ =	swait.ge [sflag:s22], s20  }
0x9f: {  	s3 =	ssub.s32 $0x0, s20;
	[sflag:s22] =	ssyncset.done $0x0  }
0xa0: {  	[sflag:s22] =	ssyncadd.s32 s3;
	_ =	sdelay $0x1  }
0xa1: {  	s23 =	simm.s32 $0x1B8B  }
0xa2: {  	_ =	swait.ge [sflag:s23], $0x1  }
0xa3: {  	[sflag:s23] =	ssyncset.done $0x0  }
0xa4: {  	s25 =	simm.s32 $0x1B8E;
	s24 =	sld [smem:$0x3FFE];
	[sflag:s23] =	ssyncadd.s32 $0xFFFFFFFF  }
0xa5: {  	s26 =	simm.s32 $execute0_lowered;
	[smem:$0x3FD2] =	sst s25  }
0xa6: {  	s4 =	sshll.u32 s26, $0x1;
	_ =	strace $0x80000046;
	[dreg:$0x1] =	wrdreg $0xFFFFFFFF  }
0xa7: {  	s28 =	simm.s32 $_size_execute0_lowered;
	s2 =	sadd.s32 s2, s4;
	[dreg:$0x0] =	wrdreg $0x0  }
0xa8: {  	s4 =	sshll.u32 s28, $0x1;
	[dreg:$0x2] =	wrdreg s2  }
0xa9: {  	[dreg:$0x3] =	wrdreg s4  }
0xaa: {  	[dreg:$0x4] =	wrdreg $0xC0  }
0xab: {  	_ =	task [dreg:s6], $0x5FFFF  }
0xac: {  	[dreg:$0x1] =	wrdreg $0xFFFFFFFF  }
0xad: {  	[dreg:$0x0] =	wrdreg $0x60  }
0xae: {  	[dreg:$0x2] =	wrdreg s24  }
0xaf: {  	[dreg:$0x3] =	wrdreg $0x2C100  }
0xb0: {  	[dreg:$0x4] =	wrdreg $0x9  }
0xb1: {  	_ =	task.clear_ibuf [dreg:s6], $0x5FFFF;
	_ =	strace $0x90000046  }
0xb2: {  	s29 =	simm.s32 $0x9;
	_ =	strace $0x80000048  }
0xb3: {  	_ =	swait.ge [sflag:s29], $0x1  }
0xb4: {  	[sflag:s29] =	ssyncadd.s32 $0xFFFFFFFF  }
0xb5: {  	_ =	strace $0x90000048  }
0xb6: {  	_ =	sfence  }
0xb7: {  	s30 =	sld [smem:$0x0];
	_ =	sdelay $0x2  }
0xb8: {  	s31 =	sshll.u32 s1, $0xD;
	s1 =	sshrl.u32 s1, $0x2  }
0xb9: {  	s3 =	sand.u32 $0x4000, s31;
	s1 =	sadd.s32 s1, s30  }
0xba: {  	s0 =	sor.u32 s3, s0;
	s1 =	sshll.u32 s1, $0x11  }
0xbb: {  	s0 =	sor.u32 s1, s0  }
0xbc: {  	s0 =	sadd.s32 $0x8F2B, s0  }
0xbd: {  	[sflag:s0] =	ssyncadd.remote.s32 $0x1  }
0xbe: {  	_ =	sfence.sel $0xFFFF  }
0xbf: {  	[dreg:$0x0] =	wrdreg $0xFFFFFFFF;
	(pc) =	sbr.abs _section_cstart, $3  }
0xc0: {  	[dreg:$0x1] =	wrdreg $0xFFFFFFFF  }
0xc1: {  	_ =	task.clear_ibuf [dreg:s6], $0x2FFFF;
	_ =	strace $0x9FFFFFFF  }
0xc2: {  	(tm) =	ssettm $0x7FFFFFFF  }
0xc3: {  	_ =	shalt  }
tec
execute0_lowered:
.L_overlay_start_1:
0x0: {  	(tag) =	ssettag $0x1  }
0x1: {  	s5 =	rddreg [dreg:$0x0];
	s0 =	srdreg.scid  }
0x2: {  	s8 =	stileid.u32;
	s1 =	rddreg [dreg:$0x1]  }
0x3: {  	s2 =	simm.s32 $0x0;
	s11 =	simm.s32 $0x50;
	s12 =	simm.s32 $0x1  }
0x4: {  	s4 =	sand.u32 $0x1, s0;
	s3 =	sshll.u32 s8, $0x1;
	s0 =	rddreg [dreg:$0x2]  }
0x5: {  	s13 =	simm.s32 $0x0;
	[smem:$0x7FF] =	sst s2;
	s3 =	sor.u32 s4, s3  }
0x6: {  	p0 =	sne.s32 s8, $0x0;
	_ =	strace $0x80000047;
	s6 =	smul.u32 $0x2710, s3  }
0x7: {  	s7 =	smul.u32 $0x4E20, s4;
	s9 =	ssub.s32 $0x2, s4;
	s4 =	sadd.s32 $0x16400, s5  }
0x8: {  	s8 =	sshrl.u32 @!p0 s1, $0x3;
	s3 =	sadd.s32 $0x1B400, s5;
	s6 =	sshrl.u32 s6, $0x3  }
0x9: {  	s10 =	sshrl.u32 s9, $0x1;
	s7 =	sadd.s32 s7, s5;
	s6 =	sadd.s32 s5, s6  }
0xa: {  	s9 =	ssub.s32 s9, s10;
	s10 =	simm.s32 $0x2;
	s5 =	sadd.s32 $0xC640, s6  }
0xb: {  	s6 =	sadd.s32 $0x1B600, s7;
	s7 =	smax.u32 s9, $0x1;
	s9 =	simm.s32 $0x2710  }
.LBB2_1:
0xc: {  	s14 =	simm.s32 @!p0 $0x1C02  }
0xd: {  	[spmem:s8], [sflag:s14] =	dma.local @!p0 [hbm:s4], $0x4E40  }
0xe: {  	s14 =	simm.s32 @!p0 $0x2  }
0xf: {  	_ =	swait.ge @!p0 [sflag:s14], $0x4E40  }
0x10: {  	[sflag:s14] =	ssyncset.done @!p0 $0x0  }
0x11: {  	[sflag:s14] =	ssyncadd.s32 @!p0 $0xFFFFB1C0  }
0x12: {  	[tilespmem:s9], [sflag:$0x2] =	stream.linear.gather [hbm4b:s3+s2], $0x500, $0x38;
	[tilespmem:$0x5330] =	vst v63  }
0x13: {  	_ =	swait.ge [sflag:s10], $0x500  }
0x14: {  	[sflag:s10] =	ssyncset.done $0x0  }
0x15: {  	[sflag:s10] =	ssyncadd.s32 $0xFFFFFB00  }
0x16: {  	[tilespmem:s2], [sflag:$0x2] =	stream.linear.gather [hbm4b:s5+s2], $0x2710, $0x38;
	[tilespmem:$0x5330] =	vst v63  }
0x17: {  	_ =	swait.ge [sflag:s10], $0x2710  }
0x18: {  	[sflag:s10] =	ssyncset.done $0x0  }
0x19: {  	p1 =	por $0x1, $0x1;
	[sflag:s10] =	ssyncadd.s32 $0xFFFFD8F0  }
0x1a: {  	s15 =	simm.s32 @!p1 $0x1;
	[bflag:$0x0] =	sbarrier.arrive $0xFFFF  }
0x1b: {  	_ =	swait.ge @!p1 [sflag:s15], $0x500  }
0x1c: {  	s16 =	simm.s32 $0x0;
	[sflag:s15] =	ssyncset.done @!p1 $0x0  }
0x1d: {  	s14 =	simm.s32 $0x1;
	[sflag:s15] =	ssyncadd.s32 @!p1 $0xFFFFFB00;
	s15 =	simm.s32 $0x50  }
.LBB2_2:
0x1e: {  	[spmem:s1] =	stream.indirect.scatter.add.f32 [tilespmem:s9], [sflag:$0x1], $0x10, s16, s11, $0xb8;
	[tilespmem:$0x5330] =	vst v63  }
0x1f: {  	p1 =	slt.u32 s14, $0x8;
	s14 =	sadd.s32 $0x1, s14  }
0x20: {  	p2 =	sne.s32 s14, $0x7D  }
.Ltmp0:
0x21: {  	(pc) =	sbr.rel @p2 .LBB2_2-.Ltmp0, $4  }
0x22: {  	s16 =	smov.u32 s15;
	s17 =	simm.s32 @!p1 $0x1  }
0x23: {  	_ =	swait.ge @!p1 [sflag:s17], $0x500  }
0x24: {  	[sflag:s17] =	ssyncset.done @!p1 $0x0  }
0x25: {  	s15 =	sadd.s32 $0x50, s15;
	[sflag:s17] =	ssyncadd.s32 @!p1 $0xFFFFFB00  }
0x26: {  	[spmem:s1] =	stream.indirect.scatter.add.f32 [tilespmem:s9], [sflag:$0x1], $0x10, s16, s11, $0xb8;
	[tilespmem:$0x5330] =	vst v63  }
0x27: {  	_ =	swait.ge [sflag:s12], $0x500  }
0x28: {  	[sflag:s12] =	ssyncset.done $0x0  }
0x29: {  	[sflag:s12] =	ssyncadd.s32 $0xFFFFFB00  }
0x2a: {  	_ =	swait.ge [sflag:s12], $0x500  }
0x2b: {  	[sflag:s12] =	ssyncset.done $0x0  }
0x2c: {  	[sflag:s12] =	ssyncadd.s32 $0xFFFFFB00  }
0x2d: {  	_ =	swait.ge [sflag:s12], $0x500  }
0x2e: {  	[sflag:s12] =	ssyncset.done $0x0  }
0x2f: {  	[sflag:s12] =	ssyncadd.s32 $0xFFFFFB00  }
0x30: {  	_ =	swait.ge [sflag:s12], $0x500  }
0x31: {  	[sflag:s12] =	ssyncset.done $0x0  }
0x32: {  	[sflag:s12] =	ssyncadd.s32 $0xFFFFFB00  }
0x33: {  	_ =	swait.ge [sflag:s12], $0x500  }
0x34: {  	[sflag:s12] =	ssyncset.done $0x0  }
0x35: {  	[sflag:s12] =	ssyncadd.s32 $0xFFFFFB00  }
0x36: {  	_ =	swait.ge [sflag:s12], $0x500  }
0x37: {  	[sflag:s12] =	ssyncset.done $0x0  }
0x38: {  	[sflag:s12] =	ssyncadd.s32 $0xFFFFFB00  }
0x39: {  	_ =	swait.ge [sflag:s12], $0x500  }
0x3a: {  	[sflag:s12] =	ssyncset.done $0x0  }
0x3b: {  	[sflag:s12] =	ssyncadd.s32 $0xFFFFFB00  }
0x3c: {  	_ =	swait.ge [sflag:s12], $0x500  }
0x3d: {  	[sflag:s12] =	ssyncset.done $0x0  }
0x3e: {  	s13 =	sadd.s32 $0x1, s13;
	[sflag:s12] =	ssyncadd.s32 $0xFFFFFB00  }
0x3f: {  	s14 =	simm.s32 @!p0 $0x1C02;
	p1 =	sne.s32 s13, s7;
	[bflag:$0x0] =	sbarrier.arrive $0xFFFF  }
0x40: {  	[hbm:s6], [sflag:s14] =	dma.local @!p0 [spmem:s8], $0x4E20  }
.Ltmp1:
0x41: {  	_ = 	snop;
	(pc) =	sbr.rel @p1 .LBB2_1-.Ltmp1, $4  }
0x42: {  	s14 =	simm.s32 @!p0 $0x2  }
0x43: {  	_ =	swait.ge @!p0 [sflag:s14], $0x4E20  }
0x44: {  	[sflag:s14] =	ssyncset.done @!p0 $0x0  }
0x45: {  	[sflag:s14] =	ssyncadd.s32 @!p0 $0xFFFFB1E0  }
0x46: {  	_ =	sfence.sel $0x180000  }
0x47: {  	[bflag:$0x0] =	sbarrier.arrive $0xFFFF  }
0x48: {  	_ =	strace $0x90000047  }
0x49: {  	s0 =	sadd.s32 @!p0 $0x100000, s0;
	[bflag:$0x2] =	sbarrier.arrive $0xFFFF  }
0x4a: {  	[sflag:s0] =	ssyncadd.tile.s32 @!p0 $0x1;
	_ =	shalt  }
.Lfunc_end2:
_tile_overlayer_lowered:
.L_overlay_start_2:
0x4b: {  	(tag) =	ssettag $0x2  }
0x4c: {  	s0 =	rddreg [dreg:$0x0];
	s2 =	stileid.u32  }
0x4d: {  	s1 =	rddreg [dreg:$0x1];
	p0 =	sne.s32 s2, $0x0  }
0x4e: {  	s3 =	rddreg [dreg:$0x2];
	[bflag:$0x3] =	sbarrier.arrive $0xFFFF;
	s2 =	simm.s32 @!p0 $0x1C02  }
0x4f: {  	[timem:s3], [sflag:s2] =	dma.local @!p0 [hbm:s0], s1  }
0x50: {  	s0 =	simm.s32 @!p0 $0x2  }
0x51: {  	_ =	swait.ge @!p0 [sflag:s0], s1  }
0x52: {  	s1 =	ssub.s32 @!p0 $0x0, s1;
	[sflag:s0] =	ssyncset.done @!p0 $0x0  }
0x53: {  	[sflag:s0] =	ssyncadd.s32 @!p0 s1  }
0x54: {  	[bflag:$0x3] =	sbarrier.arrive $0xFFFF  }
0x55: {  	_ =	shalt  }

</sc_bundles>
